<compile_context>
chip_gen: v7x
topology: tpu7x:2x2x1
jax: 0.10.2.dev20260603
libtpu: 0.0.44.dev20260713+nightly
codegen_flags: <defaults>
</compile_context>

<pallas_src>
import functools

import jax
import jax.numpy as jnp
from jax import lax
from jax.experimental import pallas as pl
from jax.experimental.pallas import tpu as pltpu
from jax.experimental.pallas import tpu_sc as plsc

NUM_CORES = 2
NUM_SUBCORES = 16
NUM_WORKERS = NUM_CORES * NUM_SUBCORES

K = 8


def _gather_sc(table, ids):
    n_tok, n_per = ids.shape
    d = table.shape[1]
    tok_per_w = n_tok // NUM_WORKERS
    n_steps = tok_per_w // K
    assert n_steps % 2 == 0 and n_per <= 128

    mesh = plsc.VectorSubcoreMesh(
        core_axis_name="c", subcore_axis_name="s",
        num_cores=NUM_CORES, num_subcores=NUM_SUBCORES)

    @functools.partial(
        pl.kernel,
        mesh=mesh,
        out_type=jax.ShapeDtypeStruct((n_tok, n_per, d), jnp.float32),
        compiler_params=pltpu.CompilerParams(use_tc_tiling_on_sc=False),
        scratch_types=[
            pltpu.VMEM((tok_per_w, n_per), jnp.int32),
            pltpu.VMEM((2, K, n_per, d), jnp.float32),
            pltpu.SemaphoreType.DMA,
            pltpu.SemaphoreType.DMA,
            pltpu.SemaphoreType.DMA,
            pltpu.SemaphoreType.DMA,
        ],
    )
    def body(table_hbm, ids_hbm, out_hbm, idx_v, rows_v, g0, g1, w0, w1):
        wid = lax.axis_index("s") * NUM_CORES + lax.axis_index("c")
        tok_base = wid * tok_per_w
        gsem = (g0, g1)
        wsem = (w0, w1)
        pltpu.sync_copy(ids_hbm.at[pl.ds(tok_base, tok_per_w)], idx_v)

        def fire_gathers(s, b):
            for j in range(K):
                pltpu.async_copy(
                    table_hbm.at[idx_v.at[s * K + j]],
                    rows_v.at[b, j],
                    gsem[b])

        def wait_gathers(b):
            for j in range(K):
                pltpu.make_async_copy(
                    table_hbm.at[pl.ds(0, n_per)], rows_v.at[b, j],
                    gsem[b]).wait()

        def fire_write(s, b):
            pltpu.async_copy(
                rows_v.at[b],
                out_hbm.at[pl.ds(tok_base + s * K, K)],
                wsem[b])

        def wait_write(b):
            pltpu.make_async_copy(
                rows_v.at[b], out_hbm.at[pl.ds(tok_base, K)], wsem[b]).wait()

        fire_gathers(0, 0)

        @pl.loop(0, n_steps, step=2)
        def _steps(t):
            for b in range(2):
                s = t + b
                b2 = 1 - b

                @pl.when(s + 1 < n_steps)
                def _prefetch():
                    @pl.when(s >= 1)
                    def _drain():
                        wait_write(b2)
                    fire_gathers(s + 1, b2)

                wait_gathers(b)
                fire_write(s, b)

        wait_write(0)
        wait_write(1)

    return body(table, ids)


def kernel(token_ids, Embedding_Matrix):
    return _gather_sc(Embedding_Matrix, token_ids.astype(jnp.int32))

# --- scband reference (transcript-rebuilt; emitter-appended) ---
"""Pipeline reference for scband-embedding-19481971655134 (READ-ONLY COPY).

The authoritative reference and input builder live on the scoring server;
editing this copy changes nothing except your own understanding.
"""

import jax, jax.numpy as jnp
import numpy as np

NUM_EMBEDDINGS = 1000000
EMBEDDING_DIM = 64

def setup_inputs(seed: int = 0) -> dict:
    key = jax.random.key(seed)
    k_idx, k_tab = jax.random.split(key)
    token_ids = jax.random.randint(k_idx, (16384, 50), 0, NUM_EMBEDDINGS, dtype=jnp.int64 if jax.config.jax_enable_x64 else jnp.int32)
    # trunc_normal(mean=0, std=1, a=-3, b=3) approximated with clipped normal
    table = jnp.clip(jax.random.normal(k_tab, (NUM_EMBEDDINGS, EMBEDDING_DIM), dtype=jnp.float32), -3.0, 3.0)
    return {"token_ids": token_ids, "Embedding_Matrix": table}

def reference(token_ids, Embedding_Matrix):
    # forward: self.Embedding_Matrix[token_ids]
    return jnp.take(Embedding_Matrix, token_ids, axis=0)

if __name__ == "__main__":
    import jax
    _d = setup_inputs()
    print(jax.jit(kernel)(*tuple(_d.values())))

</pallas_src>

<mosaic_0001>
#map = affine_map<(d0, d1) -> (0, 0)>
#map1 = affine_map<(d0, d1) -> (0, 0, 0)>
module attributes {stable_mosaic.version = 14 : i64} {
  func.func @body(%arg0: i32, %arg1: i32, %arg2: memref<1000000x64xf32, #tpu.memory_space<hbm>>, %arg3: memref<16384x50xi32, #tpu.memory_space<hbm>>, %arg4: memref<16384x50x64xf32, #tpu.memory_space<hbm>>, %arg5: memref<512x50xi32, #tpu.memory_space<vmem>>, %arg6: memref<2x8x50x64xf32, #tpu.memory_space<vmem>>, %arg7: memref<!tpu.dma_semaphore, #tpu.memory_space<semaphore_mem>>, %arg8: memref<!tpu.dma_semaphore, #tpu.memory_space<semaphore_mem>>, %arg9: memref<!tpu.dma_semaphore, #tpu.memory_space<semaphore_mem>>, %arg10: memref<!tpu.dma_semaphore, #tpu.memory_space<semaphore_mem>>) attributes {dimension_semantics = [#tpu.dimension_semantics<core_parallel>, #tpu.dimension_semantics<subcore_parallel>], iteration_bounds = array<i64: 2, 16>, scalar_prefetch = 0 : i64, scratch_operands = 6 : i64, tpu.core_type = #tpu.core_type<sc_vector_subcore>, window_params = [{transform_indices = #map}, {transform_indices = #map}, {transform_indices = #map1}]} {
    %mul3A = arith.constant 2 : i32
    %mul3A_0 = arith.muli %arg1, %mul3A : i32
    %add3A = arith.addi %mul3A_0, %arg0 : i32
    %mul3A_1 = arith.constant 512 : i32
    %mul3A_2 = arith.muli %add3A, %mul3A_1 : i32
    "tpu.region"() ({
      %run_scoped3A = tpu.sem_alloc : memref<!tpu.dma_semaphore, #tpu.memory_space<semaphore_mem>>
      %dma_start3A_143 = arith.constant 0 : i32
      %dma_start3A_144 = tpu.memref_slice %arg3[%mul3A_2, %dma_start3A_143] : memref<16384x50xi32, #tpu.memory_space<hbm>> -> memref<512x50xi32, #tpu.memory_space<hbm>>
      %dma_start3A_145 = arith.constant 0 : i32
      %dma_start3A_146 = tpu.memref_slice %arg3[%mul3A_2, %dma_start3A_145] : memref<16384x50xi32, #tpu.memory_space<hbm>> -> memref<512x50xi32, #tpu.memory_space<hbm>>
      tpu.enqueue_dma source(%dma_start3A_146 : memref<512x50xi32, #tpu.memory_space<hbm>>) target(%arg5 : memref<512x50xi32, #tpu.memory_space<vmem>>) target_semaphore(%run_scoped3A : memref<!tpu.dma_semaphore, #tpu.memory_space<semaphore_mem>>)
      %dma_wait3A_147 = arith.constant 0 : i32
      %dma_wait3A_148 = tpu.memref_slice %arg3[%mul3A_2, %dma_wait3A_147] : memref<16384x50xi32, #tpu.memory_space<hbm>> -> memref<512x50xi32, #tpu.memory_space<hbm>>
      %dma_wait3A_149 = arith.constant 0 : i32
      %dma_wait3A_150 = tpu.memref_slice %arg3[%mul3A_2, %dma_wait3A_149] : memref<16384x50xi32, #tpu.memory_space<hbm>> -> memref<512x50xi32, #tpu.memory_space<hbm>>
      tpu.wait_dma2 semaphore(%run_scoped3A : memref<!tpu.dma_semaphore, #tpu.memory_space<semaphore_mem>>) src(%dma_wait3A_150 : memref<512x50xi32, #tpu.memory_space<hbm>>) dst(%arg5 : memref<512x50xi32, #tpu.memory_space<vmem>>)
      tpu.yield
    }) : () -> ()
    %dma_start3A = arith.constant 0 : i32
    %dma_start3A_3 = arith.constant 0 : i32
    %dma_start3A_4 = arith.constant 0 : i32
    %dma_start3A_5 = arith.constant 0 : i32
    %dma_start3A_6 = arith.constant 0 : i32
    %dma_start3A_7 = tpu.memref_slice %arg6[%dma_start3A_3, %dma_start3A_4, %dma_start3A_5, %dma_start3A_6] : memref<2x8x50x64xf32, #tpu.memory_space<vmem>> -> memref<1x1x50x64xf32, #tpu.memory_space<vmem>>
    %dma_start3A_8 = tpu.memref_squeeze %dma_start3A_7 : memref<1x1x50x64xf32, #tpu.memory_space<vmem>> -> memref<50x64xf32, #tpu.memory_space<vmem>>
    %dma_start3A_9 = arith.constant 0 : i32
    %dma_start3A_10 = tpu.memref_slice %arg5[%dma_start3A, %dma_start3A_9] : memref<512x50xi32, #tpu.memory_space<vmem>> -> memref<1x50xi32, #tpu.memory_space<vmem>>
    %dma_start3A_11 = tpu.memref_squeeze %dma_start3A_10 : memref<1x50xi32, #tpu.memory_space<vmem>> -> memref<50xi32, #tpu.memory_space<vmem>>
    %dma_start3A_12 = arith.constant 0 : i32
    %dma_start3A_13 = arith.constant 0 : i32
    %dma_start3A_14 = tpu.memref_slice %arg2[%dma_start3A_12, %dma_start3A_13] : memref<1000000x64xf32, #tpu.memory_space<hbm>> -> memref<1000000x64xf32, #tpu.memory_space<hbm>>
    tpu.enqueue_indirect_dma source(%dma_start3A_14 : memref<1000000x64xf32, #tpu.memory_space<hbm>>) target(%dma_start3A_8 : memref<50x64xf32, #tpu.memory_space<vmem>>) offsets(%dma_start3A_11 : memref<50xi32, #tpu.memory_space<vmem>>) semaphore(%arg7 : memref<!tpu.dma_semaphore, #tpu.memory_space<semaphore_mem>>)
    %dma_start3A_15 = arith.constant 1 : i32
    %dma_start3A_16 = arith.constant 0 : i32
    %dma_start3A_17 = arith.constant 1 : i32
    %dma_start3A_18 = arith.constant 0 : i32
    %dma_start3A_19 = arith.constant 0 : i32
    %dma_start3A_20 = tpu.memref_slice %arg6[%dma_start3A_16, %dma_start3A_17, %dma_start3A_18, %dma_start3A_19] : memref<2x8x50x64xf32, #tpu.memory_space<vmem>> -> memref<1x1x50x64xf32, #tpu.memory_space<vmem>>
    %dma_start3A_21 = tpu.memref_squeeze %dma_start3A_20 : memref<1x1x50x64xf32, #tpu.memory_space<vmem>> -> memref<50x64xf32, #tpu.memory_space<vmem>>
    %dma_start3A_22 = arith.constant 0 : i32
    %dma_start3A_23 = tpu.memref_slice %arg5[%dma_start3A_15, %dma_start3A_22] : memref<512x50xi32, #tpu.memory_space<vmem>> -> memref<1x50xi32, #tpu.memory_space<vmem>>
    %dma_start3A_24 = tpu.memref_squeeze %dma_start3A_23 : memref<1x50xi32, #tpu.memory_space<vmem>> -> memref<50xi32, #tpu.memory_space<vmem>>
    %dma_start3A_25 = arith.constant 0 : i32
    %dma_start3A_26 = arith.constant 0 : i32
    %dma_start3A_27 = tpu.memref_slice %arg2[%dma_start3A_25, %dma_start3A_26] : memref<1000000x64xf32, #tpu.memory_space<hbm>> -> memref<1000000x64xf32, #tpu.memory_space<hbm>>
    tpu.enqueue_indirect_dma source(%dma_start3A_27 : memref<1000000x64xf32, #tpu.memory_space<hbm>>) target(%dma_start3A_21 : memref<50x64xf32, #tpu.memory_space<vmem>>) offsets(%dma_start3A_24 : memref<50xi32, #tpu.memory_space<vmem>>) semaphore(%arg7 : memref<!tpu.dma_semaphore, #tpu.memory_space<semaphore_mem>>)
    %dma_start3A_28 = arith.constant 2 : i32
    %dma_start3A_29 = arith.constant 0 : i32
    %dma_start3A_30 = arith.constant 2 : i32
    %dma_start3A_31 = arith.constant 0 : i32
    %dma_start3A_32 = arith.constant 0 : i32
    %dma_start3A_33 = tpu.memref_slice %arg6[%dma_start3A_29, %dma_start3A_30, %dma_start3A_31, %dma_start3A_32] : memref<2x8x50x64xf32, #tpu.memory_space<vmem>> -> memref<1x1x50x64xf32, #tpu.memory_space<vmem>>
    %dma_start3A_34 = tpu.memref_squeeze %dma_start3A_33 : memref<1x1x50x64xf32, #tpu.memory_space<vmem>> -> memref<50x64xf32, #tpu.memory_space<vmem>>
    %dma_start3A_35 = arith.constant 0 : i32
    %dma_start3A_36 = tpu.memref_slice %arg5[%dma_start3A_28, %dma_start3A_35] : memref<512x50xi32, #tpu.memory_space<vmem>> -> memref<1x50xi32, #tpu.memory_space<vmem>>
    %dma_start3A_37 = tpu.memref_squeeze %dma_start3A_36 : memref<1x50xi32, #tpu.memory_space<vmem>> -> memref<50xi32, #tpu.memory_space<vmem>>
    %dma_start3A_38 = arith.constant 0 : i32
    %dma_start3A_39 = arith.constant 0 : i32
    %dma_start3A_40 = tpu.memref_slice %arg2[%dma_start3A_38, %dma_start3A_39] : memref<1000000x64xf32, #tpu.memory_space<hbm>> -> memref<1000000x64xf32, #tpu.memory_space<hbm>>
    tpu.enqueue_indirect_dma source(%dma_start3A_40 : memref<1000000x64xf32, #tpu.memory_space<hbm>>) target(%dma_start3A_34 : memref<50x64xf32, #tpu.memory_space<vmem>>) offsets(%dma_start3A_37 : memref<50xi32, #tpu.memory_space<vmem>>) semaphore(%arg7 : memref<!tpu.dma_semaphore, #tpu.memory_space<semaphore_mem>>)
    %dma_start3A_41 = arith.constant 3 : i32
    %dma_start3A_42 = arith.constant 0 : i32
    %dma_start3A_43 = arith.constant 3 : i32
    %dma_start3A_44 = arith.constant 0 : i32
    %dma_start3A_45 = arith.constant 0 : i32
    %dma_start3A_46 = tpu.memref_slice %arg6[%dma_start3A_42, %dma_start3A_43, %dma_start3A_44, %dma_start3A_45] : memref<2x8x50x64xf32, #tpu.memory_space<vmem>> -> memref<1x1x50x64xf32, #tpu.memory_space<vmem>>
    %dma_start3A_47 = tpu.memref_squeeze %dma_start3A_46 : memref<1x1x50x64xf32, #tpu.memory_space<vmem>> -> memref<50x64xf32, #tpu.memory_space<vmem>>
    %dma_start3A_48 = arith.constant 0 : i32
    %dma_start3A_49 = tpu.memref_slice %arg5[%dma_start3A_41, %dma_start3A_48] : memref<512x50xi32, #tpu.memory_space<vmem>> -> memref<1x50xi32, #tpu.memory_space<vmem>>
    %dma_start3A_50 = tpu.memref_squeeze %dma_start3A_49 : memref<1x50xi32, #tpu.memory_space<vmem>> -> memref<50xi32, #tpu.memory_space<vmem>>
    %dma_start3A_51 = arith.constant 0 : i32
    %dma_start3A_52 = arith.constant 0 : i32
    %dma_start3A_53 = tpu.memref_slice %arg2[%dma_start3A_51, %dma_start3A_52] : memref<1000000x64xf32, #tpu.memory_space<hbm>> -> memref<1000000x64xf32, #tpu.memory_space<hbm>>
    tpu.enqueue_indirect_dma source(%dma_start3A_53 : memref<1000000x64xf32, #tpu.memory_space<hbm>>) target(%dma_start3A_47 : memref<50x64xf32, #tpu.memory_space<vmem>>) offsets(%dma_start3A_50 : memref<50xi32, #tpu.memory_space<vmem>>) semaphore(%arg7 : memref<!tpu.dma_semaphore, #tpu.memory_space<semaphore_mem>>)
    %dma_start3A_54 = arith.constant 4 : i32
    %dma_start3A_55 = arith.constant 0 : i32
    %dma_start3A_56 = arith.constant 4 : i32
    %dma_start3A_57 = arith.constant 0 : i32
    %dma_start3A_58 = arith.constant 0 : i32
    %dma_start3A_59 = tpu.memref_slice %arg6[%dma_start3A_55, %dma_start3A_56, %dma_start3A_57, %dma_start3A_58] : memref<2x8x50x64xf32, #tpu.memory_space<vmem>> -> memref<1x1x50x64xf32, #tpu.memory_space<vmem>>
    %dma_start3A_60 = tpu.memref_squeeze %dma_start3A_59 : memref<1x1x50x64xf32, #tpu.memory_space<vmem>> -> memref<50x64xf32, #tpu.memory_space<vmem>>
    %dma_start3A_61 = arith.constant 0 : i32
    %dma_start3A_62 = tpu.memref_slice %arg5[%dma_start3A_54, %dma_start3A_61] : memref<512x50xi32, #tpu.memory_space<vmem>> -> memref<1x50xi32, #tpu.memory_space<vmem>>
    %dma_start3A_63 = tpu.memref_squeeze %dma_start3A_62 : memref<1x50xi32, #tpu.memory_space<vmem>> -> memref<50xi32, #tpu.memory_space<vmem>>
    %dma_start3A_64 = arith.constant 0 : i32
    %dma_start3A_65 = arith.constant 0 : i32
    %dma_start3A_66 = tpu.memref_slice %arg2[%dma_start3A_64, %dma_start3A_65] : memref<1000000x64xf32, #tpu.memory_space<hbm>> -> memref<1000000x64xf32, #tpu.memory_space<hbm>>
    tpu.enqueue_indirect_dma source(%dma_start3A_66 : memref<1000000x64xf32, #tpu.memory_space<hbm>>) target(%dma_start3A_60 : memref<50x64xf32, #tpu.memory_space<vmem>>) offsets(%dma_start3A_63 : memref<50xi32, #tpu.memory_space<vmem>>) semaphore(%arg7 : memref<!tpu.dma_semaphore, #tpu.memory_space<semaphore_mem>>)
    %dma_start3A_67 = arith.constant 5 : i32
    %dma_start3A_68 = arith.constant 0 : i32
    %dma_start3A_69 = arith.constant 5 : i32
    %dma_start3A_70 = arith.constant 0 : i32
    %dma_start3A_71 = arith.constant 0 : i32
    %dma_start3A_72 = tpu.memref_slice %arg6[%dma_start3A_68, %dma_start3A_69, %dma_start3A_70, %dma_start3A_71] : memref<2x8x50x64xf32, #tpu.memory_space<vmem>> -> memref<1x1x50x64xf32, #tpu.memory_space<vmem>>
    %dma_start3A_73 = tpu.memref_squeeze %dma_start3A_72 : memref<1x1x50x64xf32, #tpu.memory_space<vmem>> -> memref<50x64xf32, #tpu.memory_space<vmem>>
    %dma_start3A_74 = arith.constant 0 : i32
    %dma_start3A_75 = tpu.memref_slice %arg5[%dma_start3A_67, %dma_start3A_74] : memref<512x50xi32, #tpu.memory_space<vmem>> -> memref<1x50xi32, #tpu.memory_space<vmem>>
    %dma_start3A_76 = tpu.memref_squeeze %dma_start3A_75 : memref<1x50xi32, #tpu.memory_space<vmem>> -> memref<50xi32, #tpu.memory_space<vmem>>
    %dma_start3A_77 = arith.constant 0 : i32
    %dma_start3A_78 = arith.constant 0 : i32
    %dma_start3A_79 = tpu.memref_slice %arg2[%dma_start3A_77, %dma_start3A_78] : memref<1000000x64xf32, #tpu.memory_space<hbm>> -> memref<1000000x64xf32, #tpu.memory_space<hbm>>
    tpu.enqueue_indirect_dma source(%dma_start3A_79 : memref<1000000x64xf32, #tpu.memory_space<hbm>>) target(%dma_start3A_73 : memref<50x64xf32, #tpu.memory_space<vmem>>) offsets(%dma_start3A_76 : memref<50xi32, #tpu.memory_space<vmem>>) semaphore(%arg7 : memref<!tpu.dma_semaphore, #tpu.memory_space<semaphore_mem>>)
    %dma_start3A_80 = arith.constant 6 : i32
    %dma_start3A_81 = arith.constant 0 : i32
    %dma_start3A_82 = arith.constant 6 : i32
    %dma_start3A_83 = arith.constant 0 : i32
    %dma_start3A_84 = arith.constant 0 : i32
    %dma_start3A_85 = tpu.memref_slice %arg6[%dma_start3A_81, %dma_start3A_82, %dma_start3A_83, %dma_start3A_84] : memref<2x8x50x64xf32, #tpu.memory_space<vmem>> -> memref<1x1x50x64xf32, #tpu.memory_space<vmem>>
    %dma_start3A_86 = tpu.memref_squeeze %dma_start3A_85 : memref<1x1x50x64xf32, #tpu.memory_space<vmem>> -> memref<50x64xf32, #tpu.memory_space<vmem>>
    %dma_start3A_87 = arith.constant 0 : i32
    %dma_start3A_88 = tpu.memref_slice %arg5[%dma_start3A_80, %dma_start3A_87] : memref<512x50xi32, #tpu.memory_space<vmem>> -> memref<1x50xi32, #tpu.memory_space<vmem>>
    %dma_start3A_89 = tpu.memref_squeeze %dma_start3A_88 : memref<1x50xi32, #tpu.memory_space<vmem>> -> memref<50xi32, #tpu.memory_space<vmem>>
    %dma_start3A_90 = arith.constant 0 : i32
    %dma_start3A_91 = arith.constant 0 : i32
    %dma_start3A_92 = tpu.memref_slice %arg2[%dma_start3A_90, %dma_start3A_91] : memref<1000000x64xf32, #tpu.memory_space<hbm>> -> memref<1000000x64xf32, #tpu.memory_space<hbm>>
    tpu.enqueue_indirect_dma source(%dma_start3A_92 : memref<1000000x64xf32, #tpu.memory_space<hbm>>) target(%dma_start3A_86 : memref<50x64xf32, #tpu.memory_space<vmem>>) offsets(%dma_start3A_89 : memref<50xi32, #tpu.memory_space<vmem>>) semaphore(%arg7 : memref<!tpu.dma_semaphore, #tpu.memory_space<semaphore_mem>>)
    %dma_start3A_93 = arith.constant 7 : i32
    %dma_start3A_94 = arith.constant 0 : i32
    %dma_start3A_95 = arith.constant 7 : i32
    %dma_start3A_96 = arith.constant 0 : i32
    %dma_start3A_97 = arith.constant 0 : i32
    %dma_start3A_98 = tpu.memref_slice %arg6[%dma_start3A_94, %dma_start3A_95, %dma_start3A_96, %dma_start3A_97] : memref<2x8x50x64xf32, #tpu.memory_space<vmem>> -> memref<1x1x50x64xf32, #tpu.memory_space<vmem>>
    %dma_start3A_99 = tpu.memref_squeeze %dma_start3A_98 : memref<1x1x50x64xf32, #tpu.memory_space<vmem>> -> memref<50x64xf32, #tpu.memory_space<vmem>>
    %dma_start3A_100 = arith.constant 0 : i32
    %dma_start3A_101 = tpu.memref_slice %arg5[%dma_start3A_93, %dma_start3A_100] : memref<512x50xi32, #tpu.memory_space<vmem>> -> memref<1x50xi32, #tpu.memory_space<vmem>>
    %dma_start3A_102 = tpu.memref_squeeze %dma_start3A_101 : memref<1x50xi32, #tpu.memory_space<vmem>> -> memref<50xi32, #tpu.memory_space<vmem>>
    %dma_start3A_103 = arith.constant 0 : i32
    %dma_start3A_104 = arith.constant 0 : i32
    %dma_start3A_105 = tpu.memref_slice %arg2[%dma_start3A_103, %dma_start3A_104] : memref<1000000x64xf32, #tpu.memory_space<hbm>> -> memref<1000000x64xf32, #tpu.memory_space<hbm>>
    tpu.enqueue_indirect_dma source(%dma_start3A_105 : memref<1000000x64xf32, #tpu.memory_space<hbm>>) target(%dma_start3A_99 : memref<50x64xf32, #tpu.memory_space<vmem>>) offsets(%dma_start3A_102 : memref<50xi32, #tpu.memory_space<vmem>>) semaphore(%arg7 : memref<!tpu.dma_semaphore, #tpu.memory_space<semaphore_mem>>)
    %scan3A = arith.constant 0 : i32
    %scan3A_106 = arith.constant 32 : i32
    %scan3A_107 = arith.addi %scan3A, %scan3A_106 : i32
    %scan3A_108 = arith.constant 1 : i32
    scf.for %scan3A_143 = %scan3A to %scan3A_107 step %scan3A_108  : i32 {
      %mul3A_144 = arith.constant 2 : i32
      %mul3A_145 = arith.muli %scan3A_143, %mul3A_144 : i32
      %add3A_146 = arith.constant 0 : i32
      %add3A_147 = arith.addi %add3A_146, %mul3A_145 : i32
      %add3A_148 = arith.constant 0 : i32
      %add3A_149 = arith.addi %add3A_147, %add3A_148 : i32
      %add3A_150 = arith.constant 1 : i32
      %add3A_151 = arith.addi %add3A_149, %add3A_150 : i32
      %lt3A = arith.constant 64 : i32
      %lt3A_152 = arith.cmpi slt, %add3A_151, %lt3A : i32
      %convert_element_type3A = arith.extui %lt3A_152 : i1 to i32
      %cond3A = arith.constant 0 : i32
      %cond3A_153 = arith.cmpi ne, %convert_element_type3A, %cond3A : i32
      scf.if %cond3A_153 {
        %ge3A = arith.constant 1 : i32
        %ge3A_459 = arith.cmpi sge, %add3A_149, %ge3A : i32
        %convert_element_type3A_460 = arith.extui %ge3A_459 : i1 to i32
        %cond3A_461 = arith.constant 0 : i32
        %cond3A_462 = arith.cmpi ne, %convert_element_type3A_460, %cond3A_461 : i32
        scf.if %cond3A_462 {
          %dma_wait3A_593 = arith.constant 1 : i32
          %dma_wait3A_594 = arith.constant 0 : i32
          %dma_wait3A_595 = arith.constant 0 : i32
          %dma_wait3A_596 = arith.constant 0 : i32
          %dma_wait3A_597 = tpu.memref_slice %arg6[%dma_wait3A_593, %dma_wait3A_594, %dma_wait3A_595, %dma_wait3A_596] : memref<2x8x50x64xf32, #tpu.memory_space<vmem>> -> memref<1x8x50x64xf32, #tpu.memory_space<vmem>>
          %dma_wait3A_598 = tpu.memref_squeeze %dma_wait3A_597 : memref<1x8x50x64xf32, #tpu.memory_space<vmem>> -> memref<8x50x64xf32, #tpu.memory_space<vmem>>
          %dma_wait3A_599 = arith.constant 0 : i32
          %dma_wait3A_600 = arith.constant 0 : i32
          %dma_wait3A_601 = tpu.memref_slice %arg4[%mul3A_2, %dma_wait3A_599, %dma_wait3A_600] : memref<16384x50x64xf32, #tpu.memory_space<hbm>> -> memref<8x50x64xf32, #tpu.memory_space<hbm>>
          %dma_wait3A_602 = arith.constant 0 : i32
          %dma_wait3A_603 = arith.constant 0 : i32
          %dma_wait3A_604 = tpu.memref_slice %arg4[%mul3A_2, %dma_wait3A_602, %dma_wait3A_603] : memref<16384x50x64xf32, #tpu.memory_space<hbm>> -> memref<8x50x64xf32, #tpu.memory_space<hbm>>
          %dma_wait3A_605 = arith.constant 0 : i32
          %dma_wait3A_606 = arith.constant 0 : i32
          %dma_wait3A_607 = arith.constant 0 : i32
          %dma_wait3A_608 = tpu.memref_slice %arg6[%dma_wait3A_593, %dma_wait3A_605, %dma_wait3A_606, %dma_wait3A_607] : memref<2x8x50x64xf32, #tpu.memory_space<vmem>> -> memref<1x8x50x64xf32, #tpu.memory_space<vmem>>
          %dma_wait3A_609 = tpu.memref_squeeze %dma_wait3A_608 : memref<1x8x50x64xf32, #tpu.memory_space<vmem>> -> memref<8x50x64xf32, #tpu.memory_space<vmem>>
          tpu.wait_dma2 semaphore(%arg10 : memref<!tpu.dma_semaphore, #tpu.memory_space<semaphore_mem>>) src(%dma_wait3A_609 : memref<8x50x64xf32, #tpu.memory_space<vmem>>) dst(%dma_wait3A_604 : memref<8x50x64xf32, #tpu.memory_space<hbm>>)
        } else {
        }
        %add3A_463 = arith.constant 1 : i32
        %add3A_464 = arith.addi %add3A_149, %add3A_463 : i32
        %mul3A_465 = arith.constant 8 : i32
        %mul3A_466 = arith.muli %add3A_464, %mul3A_465 : i32
        %add3A_467 = arith.constant 0 : i32
        %add3A_468 = arith.addi %mul3A_466, %add3A_467 : i32
        %dma_start3A_469 = arith.constant 1 : i32
        %dma_start3A_470 = arith.constant 0 : i32
        %dma_start3A_471 = arith.constant 0 : i32
        %dma_start3A_472 = arith.constant 0 : i32
        %dma_start3A_473 = tpu.memref_slice %arg6[%dma_start3A_469, %dma_start3A_470, %dma_start3A_471, %dma_start3A_472] : memref<2x8x50x64xf32, #tpu.memory_space<vmem>> -> memref<1x1x50x64xf32, #tpu.memory_space<vmem>>
        %dma_start3A_474 = tpu.memref_squeeze %dma_start3A_473 : memref<1x1x50x64xf32, #tpu.memory_space<vmem>> -> memref<50x64xf32, #tpu.memory_space<vmem>>
        %dma_start3A_475 = arith.constant 0 : i32
        %dma_start3A_476 = tpu.memref_slice %arg5[%add3A_468, %dma_start3A_475] : memref<512x50xi32, #tpu.memory_space<vmem>> -> memref<1x50xi32, #tpu.memory_space<vmem>>
        %dma_start3A_477 = tpu.memref_squeeze %dma_start3A_476 : memref<1x50xi32, #tpu.memory_space<vmem>> -> memref<50xi32, #tpu.memory_space<vmem>>
        %dma_start3A_478 = arith.constant 0 : i32
        %dma_start3A_479 = arith.constant 0 : i32
        %dma_start3A_480 = tpu.memref_slice %arg2[%dma_start3A_478, %dma_start3A_479] : memref<1000000x64xf32, #tpu.memory_space<hbm>> -> memref<1000000x64xf32, #tpu.memory_space<hbm>>
        tpu.enqueue_indirect_dma source(%dma_start3A_480 : memref<1000000x64xf32, #tpu.memory_space<hbm>>) target(%dma_start3A_474 : memref<50x64xf32, #tpu.memory_space<vmem>>) offsets(%dma_start3A_477 : memref<50xi32, #tpu.memory_space<vmem>>) semaphore(%arg8 : memref<!tpu.dma_semaphore, #tpu.memory_space<semaphore_mem>>)
        %mul3A_481 = arith.constant 8 : i32
        %mul3A_482 = arith.muli %add3A_464, %mul3A_481 : i32
        %add3A_483 = arith.constant 1 : i32
        %add3A_484 = arith.addi %mul3A_482, %add3A_483 : i32
        %dma_start3A_485 = arith.constant 1 : i32
        %dma_start3A_486 = arith.constant 1 : i32
        %dma_start3A_487 = arith.constant 0 : i32
        %dma_start3A_488 = arith.constant 0 : i32
        %dma_start3A_489 = tpu.memref_slice %arg6[%dma_start3A_485, %dma_start3A_486, %dma_start3A_487, %dma_start3A_488] : memref<2x8x50x64xf32, #tpu.memory_space<vmem>> -> memref<1x1x50x64xf32, #tpu.memory_space<vmem>>
        %dma_start3A_490 = tpu.memref_squeeze %dma_start3A_489 : memref<1x1x50x64xf32, #tpu.memory_space<vmem>> -> memref<50x64xf32, #tpu.memory_space<vmem>>
        %dma_start3A_491 = arith.constant 0 : i32
        %dma_start3A_492 = tpu.memref_slice %arg5[%add3A_484, %dma_start3A_491] : memref<512x50xi32, #tpu.memory_space<vmem>> -> memref<1x50xi32, #tpu.memory_space<vmem>>
        %dma_start3A_493 = tpu.memref_squeeze %dma_start3A_492 : memref<1x50xi32, #tpu.memory_space<vmem>> -> memref<50xi32, #tpu.memory_space<vmem>>
        %dma_start3A_494 = arith.constant 0 : i32
        %dma_start3A_495 = arith.constant 0 : i32
        %dma_start3A_496 = tpu.memref_slice %arg2[%dma_start3A_494, %dma_start3A_495] : memref<1000000x64xf32, #tpu.memory_space<hbm>> -> memref<1000000x64xf32, #tpu.memory_space<hbm>>
        tpu.enqueue_indirect_dma source(%dma_start3A_496 : memref<1000000x64xf32, #tpu.memory_space<hbm>>) target(%dma_start3A_490 : memref<50x64xf32, #tpu.memory_space<vmem>>) offsets(%dma_start3A_493 : memref<50xi32, #tpu.memory_space<vmem>>) semaphore(%arg8 : memref<!tpu.dma_semaphore, #tpu.memory_space<semaphore_mem>>)
        %mul3A_497 = arith.constant 8 : i32
        %mul3A_498 = arith.muli %add3A_464, %mul3A_497 : i32
        %add3A_499 = arith.constant 2 : i32
        %add3A_500 = arith.addi %mul3A_498, %add3A_499 : i32
        %dma_start3A_501 = arith.constant 1 : i32
        %dma_start3A_502 = arith.constant 2 : i32
        %dma_start3A_503 = arith.constant 0 : i32
        %dma_start3A_504 = arith.constant 0 : i32
        %dma_start3A_505 = tpu.memref_slice %arg6[%dma_start3A_501, %dma_start3A_502, %dma_start3A_503, %dma_start3A_504] : memref<2x8x50x64xf32, #tpu.memory_space<vmem>> -> memref<1x1x50x64xf32, #tpu.memory_space<vmem>>
        %dma_start3A_506 = tpu.memref_squeeze %dma_start3A_505 : memref<1x1x50x64xf32, #tpu.memory_space<vmem>> -> memref<50x64xf32, #tpu.memory_space<vmem>>
        %dma_start3A_507 = arith.constant 0 : i32
        %dma_start3A_508 = tpu.memref_slice %arg5[%add3A_500, %dma_start3A_507] : memref<512x50xi32, #tpu.memory_space<vmem>> -> memref<1x50xi32, #tpu.memory_space<vmem>>
        %dma_start3A_509 = tpu.memref_squeeze %dma_start3A_508 : memref<1x50xi32, #tpu.memory_space<vmem>> -> memref<50xi32, #tpu.memory_space<vmem>>
        %dma_start3A_510 = arith.constant 0 : i32
        %dma_start3A_511 = arith.constant 0 : i32
        %dma_start3A_512 = tpu.memref_slice %arg2[%dma_start3A_510, %dma_start3A_511] : memref<1000000x64xf32, #tpu.memory_space<hbm>> -> memref<1000000x64xf32, #tpu.memory_space<hbm>>
        tpu.enqueue_indirect_dma source(%dma_start3A_512 : memref<1000000x64xf32, #tpu.memory_space<hbm>>) target(%dma_start3A_506 : memref<50x64xf32, #tpu.memory_space<vmem>>) offsets(%dma_start3A_509 : memref<50xi32, #tpu.memory_space<vmem>>) semaphore(%arg8 : memref<!tpu.dma_semaphore, #tpu.memory_space<semaphore_mem>>)
        %mul3A_513 = arith.constant 8 : i32
        %mul3A_514 = arith.muli %add3A_464, %mul3A_513 : i32
        %add3A_515 = arith.constant 3 : i32
        %add3A_516 = arith.addi %mul3A_514, %add3A_515 : i32
        %dma_start3A_517 = arith.constant 1 : i32
        %dma_start3A_518 = arith.constant 3 : i32
        %dma_start3A_519 = arith.constant 0 : i32
        %dma_start3A_520 = arith.constant 0 : i32
        %dma_start3A_521 = tpu.memref_slice %arg6[%dma_start3A_517, %dma_start3A_518, %dma_start3A_519, %dma_start3A_520] : memref<2x8x50x64xf32, #tpu.memory_space<vmem>> -> memref<1x1x50x64xf32, #tpu.memory_space<vmem>>
        %dma_start3A_522 = tpu.memref_squeeze %dma_start3A_521 : memref<1x1x50x64xf32, #tpu.memory_space<vmem>> -> memref<50x64xf32, #tpu.memory_space<vmem>>
        %dma_start3A_523 = arith.constant 0 : i32
        %dma_start3A_524 = tpu.memref_slice %arg5[%add3A_516, %dma_start3A_523] : memref<512x50xi32, #tpu.memory_space<vmem>> -> memref<1x50xi32, #tpu.memory_space<vmem>>
        %dma_start3A_525 = tpu.memref_squeeze %dma_start3A_524 : memref<1x50xi32, #tpu.memory_space<vmem>> -> memref<50xi32, #tpu.memory_space<vmem>>
        %dma_start3A_526 = arith.constant 0 : i32
        %dma_start3A_527 = arith.constant 0 : i32
        %dma_start3A_528 = tpu.memref_slice %arg2[%dma_start3A_526, %dma_start3A_527] : memref<1000000x64xf32, #tpu.memory_space<hbm>> -> memref<1000000x64xf32, #tpu.memory_space<hbm>>
        tpu.enqueue_indirect_dma source(%dma_start3A_528 : memref<1000000x64xf32, #tpu.memory_space<hbm>>) target(%dma_start3A_522 : memref<50x64xf32, #tpu.memory_space<vmem>>) offsets(%dma_start3A_525 : memref<50xi32, #tpu.memory_space<vmem>>) semaphore(%arg8 : memref<!tpu.dma_semaphore, #tpu.memory_space<semaphore_mem>>)
        %mul3A_529 = arith.constant 8 : i32
        %mul3A_530 = arith.muli %add3A_464, %mul3A_529 : i32
        %add3A_531 = arith.constant 4 : i32
        %add3A_532 = arith.addi %mul3A_530, %add3A_531 : i32
        %dma_start3A_533 = arith.constant 1 : i32
        %dma_start3A_534 = arith.constant 4 : i32
        %dma_start3A_535 = arith.constant 0 : i32
        %dma_start3A_536 = arith.constant 0 : i32
        %dma_start3A_537 = tpu.memref_slice %arg6[%dma_start3A_533, %dma_start3A_534, %dma_start3A_535, %dma_start3A_536] : memref<2x8x50x64xf32, #tpu.memory_space<vmem>> -> memref<1x1x50x64xf32, #tpu.memory_space<vmem>>
        %dma_start3A_538 = tpu.memref_squeeze %dma_start3A_537 : memref<1x1x50x64xf32, #tpu.memory_space<vmem>> -> memref<50x64xf32, #tpu.memory_space<vmem>>
        %dma_start3A_539 = arith.constant 0 : i32
        %dma_start3A_540 = tpu.memref_slice %arg5[%add3A_532, %dma_start3A_539] : memref<512x50xi32, #tpu.memory_space<vmem>> -> memref<1x50xi32, #tpu.memory_space<vmem>>
        %dma_start3A_541 = tpu.memref_squeeze %dma_start3A_540 : memref<1x50xi32, #tpu.memory_space<vmem>> -> memref<50xi32, #tpu.memory_space<vmem>>
        %dma_start3A_542 = arith.constant 0 : i32
        %dma_start3A_543 = arith.constant 0 : i32
        %dma_start3A_544 = tpu.memref_slice %arg2[%dma_start3A_542, %dma_start3A_543] : memref<1000000x64xf32, #tpu.memory_space<hbm>> -> memref<1000000x64xf32, #tpu.memory_space<hbm>>
        tpu.enqueue_indirect_dma source(%dma_start3A_544 : memref<1000000x64xf32, #tpu.memory_space<hbm>>) target(%dma_start3A_538 : memref<50x64xf32, #tpu.memory_space<vmem>>) offsets(%dma_start3A_541 : memref<50xi32, #tpu.memory_space<vmem>>) semaphore(%arg8 : memref<!tpu.dma_semaphore, #tpu.memory_space<semaphore_mem>>)
        %mul3A_545 = arith.constant 8 : i32
        %mul3A_546 = arith.muli %add3A_464, %mul3A_545 : i32
        %add3A_547 = arith.constant 5 : i32
        %add3A_548 = arith.addi %mul3A_546, %add3A_547 : i32
        %dma_start3A_549 = arith.constant 1 : i32
        %dma_start3A_550 = arith.constant 5 : i32
        %dma_start3A_551 = arith.constant 0 : i32
        %dma_start3A_552 = arith.constant 0 : i32
        %dma_start3A_553 = tpu.memref_slice %arg6[%dma_start3A_549, %dma_start3A_550, %dma_start3A_551, %dma_start3A_552] : memref<2x8x50x64xf32, #tpu.memory_space<vmem>> -> memref<1x1x50x64xf32, #tpu.memory_space<vmem>>
        %dma_start3A_554 = tpu.memref_squeeze %dma_start3A_553 : memref<1x1x50x64xf32, #tpu.memory_space<vmem>> -> memref<50x64xf32, #tpu.memory_space<vmem>>
        %dma_start3A_555 = arith.constant 0 : i32
        %dma_start3A_556 = tpu.memref_slice %arg5[%add3A_548, %dma_start3A_555] : memref<512x50xi32, #tpu.memory_space<vmem>> -> memref<1x50xi32, #tpu.memory_space<vmem>>
        %dma_start3A_557 = tpu.memref_squeeze %dma_start3A_556 : memref<1x50xi32, #tpu.memory_space<vmem>> -> memref<50xi32, #tpu.memory_space<vmem>>
        %dma_start3A_558 = arith.constant 0 : i32
        %dma_start3A_559 = arith.constant 0 : i32
        %dma_start3A_560 = tpu.memref_slice %arg2[%dma_start3A_558, %dma_start3A_559] : memref<1000000x64xf32, #tpu.memory_space<hbm>> -> memref<1000000x64xf32, #tpu.memory_space<hbm>>
        tpu.enqueue_indirect_dma source(%dma_start3A_560 : memref<1000000x64xf32, #tpu.memory_space<hbm>>) target(%dma_start3A_554 : memref<50x64xf32, #tpu.memory_space<vmem>>) offsets(%dma_start3A_557 : memref<50xi32, #tpu.memory_space<vmem>>) semaphore(%arg8 : memref<!tpu.dma_semaphore, #tpu.memory_space<semaphore_mem>>)
        %mul3A_561 = arith.constant 8 : i32
        %mul3A_562 = arith.muli %add3A_464, %mul3A_561 : i32
        %add3A_563 = arith.constant 6 : i32
        %add3A_564 = arith.addi %mul3A_562, %add3A_563 : i32
        %dma_start3A_565 = arith.constant 1 : i32
        %dma_start3A_566 = arith.constant 6 : i32
        %dma_start3A_567 = arith.constant 0 : i32
        %dma_start3A_568 = arith.constant 0 : i32
        %dma_start3A_569 = tpu.memref_slice %arg6[%dma_start3A_565, %dma_start3A_566, %dma_start3A_567, %dma_start3A_568] : memref<2x8x50x64xf32, #tpu.memory_space<vmem>> -> memref<1x1x50x64xf32, #tpu.memory_space<vmem>>
        %dma_start3A_570 = tpu.memref_squeeze %dma_start3A_569 : memref<1x1x50x64xf32, #tpu.memory_space<vmem>> -> memref<50x64xf32, #tpu.memory_space<vmem>>
        %dma_start3A_571 = arith.constant 0 : i32
        %dma_start3A_572 = tpu.memref_slice %arg5[%add3A_564, %dma_start3A_571] : memref<512x50xi32, #tpu.memory_space<vmem>> -> memref<1x50xi32, #tpu.memory_space<vmem>>
        %dma_start3A_573 = tpu.memref_squeeze %dma_start3A_572 : memref<1x50xi32, #tpu.memory_space<vmem>> -> memref<50xi32, #tpu.memory_space<vmem>>
        %dma_start3A_574 = arith.constant 0 : i32
        %dma_start3A_575 = arith.constant 0 : i32
        %dma_start3A_576 = tpu.memref_slice %arg2[%dma_start3A_574, %dma_start3A_575] : memref<1000000x64xf32, #tpu.memory_space<hbm>> -> memref<1000000x64xf32, #tpu.memory_space<hbm>>
        tpu.enqueue_indirect_dma source(%dma_start3A_576 : memref<1000000x64xf32, #tpu.memory_space<hbm>>) target(%dma_start3A_570 : memref<50x64xf32, #tpu.memory_space<vmem>>) offsets(%dma_start3A_573 : memref<50xi32, #tpu.memory_space<vmem>>) semaphore(%arg8 : memref<!tpu.dma_semaphore, #tpu.memory_space<semaphore_mem>>)
        %mul3A_577 = arith.constant 8 : i32
        %mul3A_578 = arith.muli %add3A_464, %mul3A_577 : i32
        %add3A_579 = arith.constant 7 : i32
        %add3A_580 = arith.addi %mul3A_578, %add3A_579 : i32
        %dma_start3A_581 = arith.constant 1 : i32
        %dma_start3A_582 = arith.constant 7 : i32
        %dma_start3A_583 = arith.constant 0 : i32
        %dma_start3A_584 = arith.constant 0 : i32
        %dma_start3A_585 = tpu.memref_slice %arg6[%dma_start3A_581, %dma_start3A_582, %dma_start3A_583, %dma_start3A_584] : memref<2x8x50x64xf32, #tpu.memory_space<vmem>> -> memref<1x1x50x64xf32, #tpu.memory_space<vmem>>
        %dma_start3A_586 = tpu.memref_squeeze %dma_start3A_585 : memref<1x1x50x64xf32, #tpu.memory_space<vmem>> -> memref<50x64xf32, #tpu.memory_space<vmem>>
        %dma_start3A_587 = arith.constant 0 : i32
        %dma_start3A_588 = tpu.memref_slice %arg5[%add3A_580, %dma_start3A_587] : memref<512x50xi32, #tpu.memory_space<vmem>> -> memref<1x50xi32, #tpu.memory_space<vmem>>
        %dma_start3A_589 = tpu.memref_squeeze %dma_start3A_588 : memref<1x50xi32, #tpu.memory_space<vmem>> -> memref<50xi32, #tpu.memory_space<vmem>>
        %dma_start3A_590 = arith.constant 0 : i32
        %dma_start3A_591 = arith.constant 0 : i32
        %dma_start3A_592 = tpu.memref_slice %arg2[%dma_start3A_590, %dma_start3A_591] : memref<1000000x64xf32, #tpu.memory_space<hbm>> -> memref<1000000x64xf32, #tpu.memory_space<hbm>>
        tpu.enqueue_indirect_dma source(%dma_start3A_592 : memref<1000000x64xf32, #tpu.memory_space<hbm>>) target(%dma_start3A_586 : memref<50x64xf32, #tpu.memory_space<vmem>>) offsets(%dma_start3A_589 : memref<50xi32, #tpu.memory_space<vmem>>) semaphore(%arg8 : memref<!tpu.dma_semaphore, #tpu.memory_space<semaphore_mem>>)
      } else {
      }
      %dma_wait3A_154 = arith.constant 0 : i32
      %dma_wait3A_155 = arith.constant 0 : i32
      %dma_wait3A_156 = arith.constant 0 : i32
      %dma_wait3A_157 = arith.constant 0 : i32
      %dma_wait3A_158 = tpu.memref_slice %arg6[%dma_wait3A_154, %dma_wait3A_155, %dma_wait3A_156, %dma_wait3A_157] : memref<2x8x50x64xf32, #tpu.memory_space<vmem>> -> memref<1x1x50x64xf32, #tpu.memory_space<vmem>>
      %dma_wait3A_159 = tpu.memref_squeeze %dma_wait3A_158 : memref<1x1x50x64xf32, #tpu.memory_space<vmem>> -> memref<50x64xf32, #tpu.memory_space<vmem>>
      %dma_wait3A_160 = arith.constant 0 : i32
      %dma_wait3A_161 = arith.constant 0 : i32
      %dma_wait3A_162 = tpu.memref_slice %arg2[%dma_wait3A_160, %dma_wait3A_161] : memref<1000000x64xf32, #tpu.memory_space<hbm>> -> memref<50x64xf32, #tpu.memory_space<hbm>>
      %dma_wait3A_163 = arith.constant 0 : i32
      %dma_wait3A_164 = arith.constant 0 : i32
      %dma_wait3A_165 = tpu.memref_slice %arg6[%dma_wait3A_154, %dma_wait3A_155, %dma_wait3A_163, %dma_wait3A_164] : memref<2x8x50x64xf32, #tpu.memory_space<vmem>> -> memref<1x1x50x64xf32, #tpu.memory_space<vmem>>
      %dma_wait3A_166 = tpu.memref_squeeze %dma_wait3A_165 : memref<1x1x50x64xf32, #tpu.memory_space<vmem>> -> memref<50x64xf32, #tpu.memory_space<vmem>>
      %dma_wait3A_167 = arith.constant 0 : i32
      %dma_wait3A_168 = arith.constant 0 : i32
      %dma_wait3A_169 = tpu.memref_slice %arg2[%dma_wait3A_167, %dma_wait3A_168] : memref<1000000x64xf32, #tpu.memory_space<hbm>> -> memref<50x64xf32, #tpu.memory_space<hbm>>
      tpu.wait_dma2 semaphore(%arg7 : memref<!tpu.dma_semaphore, #tpu.memory_space<semaphore_mem>>) src(%dma_wait3A_169 : memref<50x64xf32, #tpu.memory_space<hbm>>) dst(%dma_wait3A_166 : memref<50x64xf32, #tpu.memory_space<vmem>>)
      %dma_wait3A_170 = arith.constant 0 : i32
      %dma_wait3A_171 = arith.constant 1 : i32
      %dma_wait3A_172 = arith.constant 0 : i32
      %dma_wait3A_173 = arith.constant 0 : i32
      %dma_wait3A_174 = tpu.memref_slice %arg6[%dma_wait3A_170, %dma_wait3A_171, %dma_wait3A_172, %dma_wait3A_173] : memref<2x8x50x64xf32, #tpu.memory_space<vmem>> -> memref<1x1x50x64xf32, #tpu.memory_space<vmem>>
      %dma_wait3A_175 = tpu.memref_squeeze %dma_wait3A_174 : memref<1x1x50x64xf32, #tpu.memory_space<vmem>> -> memref<50x64xf32, #tpu.memory_space<vmem>>
      %dma_wait3A_176 = arith.constant 0 : i32
      %dma_wait3A_177 = arith.constant 0 : i32
      %dma_wait3A_178 = tpu.memref_slice %arg2[%dma_wait3A_176, %dma_wait3A_177] : memref<1000000x64xf32, #tpu.memory_space<hbm>> -> memref<50x64xf32, #tpu.memory_space<hbm>>
      %dma_wait3A_179 = arith.constant 0 : i32
      %dma_wait3A_180 = arith.constant 0 : i32
      %dma_wait3A_181 = tpu.memref_slice %arg6[%dma_wait3A_170, %dma_wait3A_171, %dma_wait3A_179, %dma_wait3A_180] : memref<2x8x50x64xf32, #tpu.memory_space<vmem>> -> memref<1x1x50x64xf32, #tpu.memory_space<vmem>>
      %dma_wait3A_182 = tpu.memref_squeeze %dma_wait3A_181 : memref<1x1x50x64xf32, #tpu.memory_space<vmem>> -> memref<50x64xf32, #tpu.memory_space<vmem>>
      %dma_wait3A_183 = arith.constant 0 : i32
      %dma_wait3A_184 = arith.constant 0 : i32
      %dma_wait3A_185 = tpu.memref_slice %arg2[%dma_wait3A_183, %dma_wait3A_184] : memref<1000000x64xf32, #tpu.memory_space<hbm>> -> memref<50x64xf32, #tpu.memory_space<hbm>>
      tpu.wait_dma2 semaphore(%arg7 : memref<!tpu.dma_semaphore, #tpu.memory_space<semaphore_mem>>) src(%dma_wait3A_185 : memref<50x64xf32, #tpu.memory_space<hbm>>) dst(%dma_wait3A_182 : memref<50x64xf32, #tpu.memory_space<vmem>>)
      %dma_wait3A_186 = arith.constant 0 : i32
      %dma_wait3A_187 = arith.constant 2 : i32
      %dma_wait3A_188 = arith.constant 0 : i32
      %dma_wait3A_189 = arith.constant 0 : i32
      %dma_wait3A_190 = tpu.memref_slice %arg6[%dma_wait3A_186, %dma_wait3A_187, %dma_wait3A_188, %dma_wait3A_189] : memref<2x8x50x64xf32, #tpu.memory_space<vmem>> -> memref<1x1x50x64xf32, #tpu.memory_space<vmem>>
      %dma_wait3A_191 = tpu.memref_squeeze %dma_wait3A_190 : memref<1x1x50x64xf32, #tpu.memory_space<vmem>> -> memref<50x64xf32, #tpu.memory_space<vmem>>
      %dma_wait3A_192 = arith.constant 0 : i32
      %dma_wait3A_193 = arith.constant 0 : i32
      %dma_wait3A_194 = tpu.memref_slice %arg2[%dma_wait3A_192, %dma_wait3A_193] : memref<1000000x64xf32, #tpu.memory_space<hbm>> -> memref<50x64xf32, #tpu.memory_space<hbm>>
      %dma_wait3A_195 = arith.constant 0 : i32
      %dma_wait3A_196 = arith.constant 0 : i32
      %dma_wait3A_197 = tpu.memref_slice %arg6[%dma_wait3A_186, %dma_wait3A_187, %dma_wait3A_195, %dma_wait3A_196] : memref<2x8x50x64xf32, #tpu.memory_space<vmem>> -> memref<1x1x50x64xf32, #tpu.memory_space<vmem>>
      %dma_wait3A_198 = tpu.memref_squeeze %dma_wait3A_197 : memref<1x1x50x64xf32, #tpu.memory_space<vmem>> -> memref<50x64xf32, #tpu.memory_space<vmem>>
      %dma_wait3A_199 = arith.constant 0 : i32
      %dma_wait3A_200 = arith.constant 0 : i32
      %dma_wait3A_201 = tpu.memref_slice %arg2[%dma_wait3A_199, %dma_wait3A_200] : memref<1000000x64xf32, #tpu.memory_space<hbm>> -> memref<50x64xf32, #tpu.memory_space<hbm>>
      tpu.wait_dma2 semaphore(%arg7 : memref<!tpu.dma_semaphore, #tpu.memory_space<semaphore_mem>>) src(%dma_wait3A_201 : memref<50x64xf32, #tpu.memory_space<hbm>>) dst(%dma_wait3A_198 : memref<50x64xf32, #tpu.memory_space<vmem>>)
      %dma_wait3A_202 = arith.constant 0 : i32
      %dma_wait3A_203 = arith.constant 3 : i32
      %dma_wait3A_204 = arith.constant 0 : i32
      %dma_wait3A_205 = arith.constant 0 : i32
      %dma_wait3A_206 = tpu.memref_slice %arg6[%dma_wait3A_202, %dma_wait3A_203, %dma_wait3A_204, %dma_wait3A_205] : memref<2x8x50x64xf32, #tpu.memory_space<vmem>> -> memref<1x1x50x64xf32, #tpu.memory_space<vmem>>
      %dma_wait3A_207 = tpu.memref_squeeze %dma_wait3A_206 : memref<1x1x50x64xf32, #tpu.memory_space<vmem>> -> memref<50x64xf32, #tpu.memory_space<vmem>>
      %dma_wait3A_208 = arith.constant 0 : i32
      %dma_wait3A_209 = arith.constant 0 : i32
      %dma_wait3A_210 = tpu.memref_slice %arg2[%dma_wait3A_208, %dma_wait3A_209] : memref<1000000x64xf32, #tpu.memory_space<hbm>> -> memref<50x64xf32, #tpu.memory_space<hbm>>
      %dma_wait3A_211 = arith.constant 0 : i32
      %dma_wait3A_212 = arith.constant 0 : i32
      %dma_wait3A_213 = tpu.memref_slice %arg6[%dma_wait3A_202, %dma_wait3A_203, %dma_wait3A_211, %dma_wait3A_212] : memref<2x8x50x64xf32, #tpu.memory_space<vmem>> -> memref<1x1x50x64xf32, #tpu.memory_space<vmem>>
      %dma_wait3A_214 = tpu.memref_squeeze %dma_wait3A_213 : memref<1x1x50x64xf32, #tpu.memory_space<vmem>> -> memref<50x64xf32, #tpu.memory_space<vmem>>
      %dma_wait3A_215 = arith.constant 0 : i32
      %dma_wait3A_216 = arith.constant 0 : i32
      %dma_wait3A_217 = tpu.memref_slice %arg2[%dma_wait3A_215, %dma_wait3A_216] : memref<1000000x64xf32, #tpu.memory_space<hbm>> -> memref<50x64xf32, #tpu.memory_space<hbm>>
      tpu.wait_dma2 semaphore(%arg7 : memref<!tpu.dma_semaphore, #tpu.memory_space<semaphore_mem>>) src(%dma_wait3A_217 : memref<50x64xf32, #tpu.memory_space<hbm>>) dst(%dma_wait3A_214 : memref<50x64xf32, #tpu.memory_space<vmem>>)
      %dma_wait3A_218 = arith.constant 0 : i32
      %dma_wait3A_219 = arith.constant 4 : i32
      %dma_wait3A_220 = arith.constant 0 : i32
      %dma_wait3A_221 = arith.constant 0 : i32
      %dma_wait3A_222 = tpu.memref_slice %arg6[%dma_wait3A_218, %dma_wait3A_219, %dma_wait3A_220, %dma_wait3A_221] : memref<2x8x50x64xf32, #tpu.memory_space<vmem>> -> memref<1x1x50x64xf32, #tpu.memory_space<vmem>>
      %dma_wait3A_223 = tpu.memref_squeeze %dma_wait3A_222 : memref<1x1x50x64xf32, #tpu.memory_space<vmem>> -> memref<50x64xf32, #tpu.memory_space<vmem>>
      %dma_wait3A_224 = arith.constant 0 : i32
      %dma_wait3A_225 = arith.constant 0 : i32
      %dma_wait3A_226 = tpu.memref_slice %arg2[%dma_wait3A_224, %dma_wait3A_225] : memref<1000000x64xf32, #tpu.memory_space<hbm>> -> memref<50x64xf32, #tpu.memory_space<hbm>>
      %dma_wait3A_227 = arith.constant 0 : i32
      %dma_wait3A_228 = arith.constant 0 : i32
      %dma_wait3A_229 = tpu.memref_slice %arg6[%dma_wait3A_218, %dma_wait3A_219, %dma_wait3A_227, %dma_wait3A_228] : memref<2x8x50x64xf32, #tpu.memory_space<vmem>> -> memref<1x1x50x64xf32, #tpu.memory_space<vmem>>
      %dma_wait3A_230 = tpu.memref_squeeze %dma_wait3A_229 : memref<1x1x50x64xf32, #tpu.memory_space<vmem>> -> memref<50x64xf32, #tpu.memory_space<vmem>>
      %dma_wait3A_231 = arith.constant 0 : i32
      %dma_wait3A_232 = arith.constant 0 : i32
      %dma_wait3A_233 = tpu.memref_slice %arg2[%dma_wait3A_231, %dma_wait3A_232] : memref<1000000x64xf32, #tpu.memory_space<hbm>> -> memref<50x64xf32, #tpu.memory_space<hbm>>
      tpu.wait_dma2 semaphore(%arg7 : memref<!tpu.dma_semaphore, #tpu.memory_space<semaphore_mem>>) src(%dma_wait3A_233 : memref<50x64xf32, #tpu.memory_space<hbm>>) dst(%dma_wait3A_230 : memref<50x64xf32, #tpu.memory_space<vmem>>)
      %dma_wait3A_234 = arith.constant 0 : i32
      %dma_wait3A_235 = arith.constant 5 : i32
      %dma_wait3A_236 = arith.constant 0 : i32
      %dma_wait3A_237 = arith.constant 0 : i32
      %dma_wait3A_238 = tpu.memref_slice %arg6[%dma_wait3A_234, %dma_wait3A_235, %dma_wait3A_236, %dma_wait3A_237] : memref<2x8x50x64xf32, #tpu.memory_space<vmem>> -> memref<1x1x50x64xf32, #tpu.memory_space<vmem>>
      %dma_wait3A_239 = tpu.memref_squeeze %dma_wait3A_238 : memref<1x1x50x64xf32, #tpu.memory_space<vmem>> -> memref<50x64xf32, #tpu.memory_space<vmem>>
      %dma_wait3A_240 = arith.constant 0 : i32
      %dma_wait3A_241 = arith.constant 0 : i32
      %dma_wait3A_242 = tpu.memref_slice %arg2[%dma_wait3A_240, %dma_wait3A_241] : memref<1000000x64xf32, #tpu.memory_space<hbm>> -> memref<50x64xf32, #tpu.memory_space<hbm>>
      %dma_wait3A_243 = arith.constant 0 : i32
      %dma_wait3A_244 = arith.constant 0 : i32
      %dma_wait3A_245 = tpu.memref_slice %arg6[%dma_wait3A_234, %dma_wait3A_235, %dma_wait3A_243, %dma_wait3A_244] : memref<2x8x50x64xf32, #tpu.memory_space<vmem>> -> memref<1x1x50x64xf32, #tpu.memory_space<vmem>>
      %dma_wait3A_246 = tpu.memref_squeeze %dma_wait3A_245 : memref<1x1x50x64xf32, #tpu.memory_space<vmem>> -> memref<50x64xf32, #tpu.memory_space<vmem>>
      %dma_wait3A_247 = arith.constant 0 : i32
      %dma_wait3A_248 = arith.constant 0 : i32
      %dma_wait3A_249 = tpu.memref_slice %arg2[%dma_wait3A_247, %dma_wait3A_248] : memref<1000000x64xf32, #tpu.memory_space<hbm>> -> memref<50x64xf32, #tpu.memory_space<hbm>>
      tpu.wait_dma2 semaphore(%arg7 : memref<!tpu.dma_semaphore, #tpu.memory_space<semaphore_mem>>) src(%dma_wait3A_249 : memref<50x64xf32, #tpu.memory_space<hbm>>) dst(%dma_wait3A_246 : memref<50x64xf32, #tpu.memory_space<vmem>>)
      %dma_wait3A_250 = arith.constant 0 : i32
      %dma_wait3A_251 = arith.constant 6 : i32
      %dma_wait3A_252 = arith.constant 0 : i32
      %dma_wait3A_253 = arith.constant 0 : i32
      %dma_wait3A_254 = tpu.memref_slice %arg6[%dma_wait3A_250, %dma_wait3A_251, %dma_wait3A_252, %dma_wait3A_253] : memref<2x8x50x64xf32, #tpu.memory_space<vmem>> -> memref<1x1x50x64xf32, #tpu.memory_space<vmem>>
      %dma_wait3A_255 = tpu.memref_squeeze %dma_wait3A_254 : memref<1x1x50x64xf32, #tpu.memory_space<vmem>> -> memref<50x64xf32, #tpu.memory_space<vmem>>
      %dma_wait3A_256 = arith.constant 0 : i32
      %dma_wait3A_257 = arith.constant 0 : i32
      %dma_wait3A_258 = tpu.memref_slice %arg2[%dma_wait3A_256, %dma_wait3A_257] : memref<1000000x64xf32, #tpu.memory_space<hbm>> -> memref<50x64xf32, #tpu.memory_space<hbm>>
      %dma_wait3A_259 = arith.constant 0 : i32
      %dma_wait3A_260 = arith.constant 0 : i32
      %dma_wait3A_261 = tpu.memref_slice %arg6[%dma_wait3A_250, %dma_wait3A_251, %dma_wait3A_259, %dma_wait3A_260] : memref<2x8x50x64xf32, #tpu.memory_space<vmem>> -> memref<1x1x50x64xf32, #tpu.memory_space<vmem>>
      %dma_wait3A_262 = tpu.memref_squeeze %dma_wait3A_261 : memref<1x1x50x64xf32, #tpu.memory_space<vmem>> -> memref<50x64xf32, #tpu.memory_space<vmem>>
      %dma_wait3A_263 = arith.constant 0 : i32
      %dma_wait3A_264 = arith.constant 0 : i32
      %dma_wait3A_265 = tpu.memref_slice %arg2[%dma_wait3A_263, %dma_wait3A_264] : memref<1000000x64xf32, #tpu.memory_space<hbm>> -> memref<50x64xf32, #tpu.memory_space<hbm>>
      tpu.wait_dma2 semaphore(%arg7 : memref<!tpu.dma_semaphore, #tpu.memory_space<semaphore_mem>>) src(%dma_wait3A_265 : memref<50x64xf32, #tpu.memory_space<hbm>>) dst(%dma_wait3A_262 : memref<50x64xf32, #tpu.memory_space<vmem>>)
      %dma_wait3A_266 = arith.constant 0 : i32
      %dma_wait3A_267 = arith.constant 7 : i32
      %dma_wait3A_268 = arith.constant 0 : i32
      %dma_wait3A_269 = arith.constant 0 : i32
      %dma_wait3A_270 = tpu.memref_slice %arg6[%dma_wait3A_266, %dma_wait3A_267, %dma_wait3A_268, %dma_wait3A_269] : memref<2x8x50x64xf32, #tpu.memory_space<vmem>> -> memref<1x1x50x64xf32, #tpu.memory_space<vmem>>
      %dma_wait3A_271 = tpu.memref_squeeze %dma_wait3A_270 : memref<1x1x50x64xf32, #tpu.memory_space<vmem>> -> memref<50x64xf32, #tpu.memory_space<vmem>>
      %dma_wait3A_272 = arith.constant 0 : i32
      %dma_wait3A_273 = arith.constant 0 : i32
      %dma_wait3A_274 = tpu.memref_slice %arg2[%dma_wait3A_272, %dma_wait3A_273] : memref<1000000x64xf32, #tpu.memory_space<hbm>> -> memref<50x64xf32, #tpu.memory_space<hbm>>
      %dma_wait3A_275 = arith.constant 0 : i32
      %dma_wait3A_276 = arith.constant 0 : i32
      %dma_wait3A_277 = tpu.memref_slice %arg6[%dma_wait3A_266, %dma_wait3A_267, %dma_wait3A_275, %dma_wait3A_276] : memref<2x8x50x64xf32, #tpu.memory_space<vmem>> -> memref<1x1x50x64xf32, #tpu.memory_space<vmem>>
      %dma_wait3A_278 = tpu.memref_squeeze %dma_wait3A_277 : memref<1x1x50x64xf32, #tpu.memory_space<vmem>> -> memref<50x64xf32, #tpu.memory_space<vmem>>
      %dma_wait3A_279 = arith.constant 0 : i32
      %dma_wait3A_280 = arith.constant 0 : i32
      %dma_wait3A_281 = tpu.memref_slice %arg2[%dma_wait3A_279, %dma_wait3A_280] : memref<1000000x64xf32, #tpu.memory_space<hbm>> -> memref<50x64xf32, #tpu.memory_space<hbm>>
      tpu.wait_dma2 semaphore(%arg7 : memref<!tpu.dma_semaphore, #tpu.memory_space<semaphore_mem>>) src(%dma_wait3A_281 : memref<50x64xf32, #tpu.memory_space<hbm>>) dst(%dma_wait3A_278 : memref<50x64xf32, #tpu.memory_space<vmem>>)
      %mul3A_282 = arith.constant 8 : i32
      %mul3A_283 = arith.muli %add3A_149, %mul3A_282 : i32
      %add3A_284 = arith.addi %mul3A_2, %mul3A_283 : i32
      %dma_start3A_285 = arith.constant 0 : i32
      %dma_start3A_286 = arith.constant 0 : i32
      %dma_start3A_287 = arith.constant 0 : i32
      %dma_start3A_288 = arith.constant 0 : i32
      %dma_start3A_289 = tpu.memref_slice %arg6[%dma_start3A_285, %dma_start3A_286, %dma_start3A_287, %dma_start3A_288] : memref<2x8x50x64xf32, #tpu.memory_space<vmem>> -> memref<1x8x50x64xf32, #tpu.memory_space<vmem>>
      %dma_start3A_290 = tpu.memref_squeeze %dma_start3A_289 : memref<1x8x50x64xf32, #tpu.memory_space<vmem>> -> memref<8x50x64xf32, #tpu.memory_space<vmem>>
      %dma_start3A_291 = arith.constant 0 : i32
      %dma_start3A_292 = arith.constant 0 : i32
      %dma_start3A_293 = tpu.memref_slice %arg4[%add3A_284, %dma_start3A_291, %dma_start3A_292] : memref<16384x50x64xf32, #tpu.memory_space<hbm>> -> memref<8x50x64xf32, #tpu.memory_space<hbm>>
      %dma_start3A_294 = arith.constant 0 : i32
      %dma_start3A_295 = arith.constant 0 : i32
      %dma_start3A_296 = tpu.memref_slice %arg4[%add3A_284, %dma_start3A_294, %dma_start3A_295] : memref<16384x50x64xf32, #tpu.memory_space<hbm>> -> memref<8x50x64xf32, #tpu.memory_space<hbm>>
      %dma_start3A_297 = arith.constant 0 : i32
      %dma_start3A_298 = arith.constant 0 : i32
      %dma_start3A_299 = arith.constant 0 : i32
      %dma_start3A_300 = tpu.memref_slice %arg6[%dma_start3A_285, %dma_start3A_297, %dma_start3A_298, %dma_start3A_299] : memref<2x8x50x64xf32, #tpu.memory_space<vmem>> -> memref<1x8x50x64xf32, #tpu.memory_space<vmem>>
      %dma_start3A_301 = tpu.memref_squeeze %dma_start3A_300 : memref<1x8x50x64xf32, #tpu.memory_space<vmem>> -> memref<8x50x64xf32, #tpu.memory_space<vmem>>
      tpu.enqueue_dma source(%dma_start3A_301 : memref<8x50x64xf32, #tpu.memory_space<vmem>>) target(%dma_start3A_296 : memref<8x50x64xf32, #tpu.memory_space<hbm>>) target_semaphore(%arg9 : memref<!tpu.dma_semaphore, #tpu.memory_space<semaphore_mem>>)
      %add3A_302 = arith.constant 1 : i32
      %add3A_303 = arith.addi %add3A_147, %add3A_302 : i32
      %add3A_304 = arith.constant 1 : i32
      %add3A_305 = arith.addi %add3A_303, %add3A_304 : i32
      %lt3A_306 = arith.constant 64 : i32
      %lt3A_307 = arith.cmpi slt, %add3A_305, %lt3A_306 : i32
      %convert_element_type3A_308 = arith.extui %lt3A_307 : i1 to i32
      %cond3A_309 = arith.constant 0 : i32
      %cond3A_310 = arith.cmpi ne, %convert_element_type3A_308, %cond3A_309 : i32
      scf.if %cond3A_310 {
        %ge3A = arith.constant 1 : i32
        %ge3A_459 = arith.cmpi sge, %add3A_303, %ge3A : i32
        %convert_element_type3A_460 = arith.extui %ge3A_459 : i1 to i32
        %cond3A_461 = arith.constant 0 : i32
        %cond3A_462 = arith.cmpi ne, %convert_element_type3A_460, %cond3A_461 : i32
        scf.if %cond3A_462 {
          %dma_wait3A_593 = arith.constant 0 : i32
          %dma_wait3A_594 = arith.constant 0 : i32
          %dma_wait3A_595 = arith.constant 0 : i32
          %dma_wait3A_596 = arith.constant 0 : i32
          %dma_wait3A_597 = tpu.memref_slice %arg6[%dma_wait3A_593, %dma_wait3A_594, %dma_wait3A_595, %dma_wait3A_596] : memref<2x8x50x64xf32, #tpu.memory_space<vmem>> -> memref<1x8x50x64xf32, #tpu.memory_space<vmem>>
          %dma_wait3A_598 = tpu.memref_squeeze %dma_wait3A_597 : memref<1x8x50x64xf32, #tpu.memory_space<vmem>> -> memref<8x50x64xf32, #tpu.memory_space<vmem>>
          %dma_wait3A_599 = arith.constant 0 : i32
          %dma_wait3A_600 = arith.constant 0 : i32
          %dma_wait3A_601 = tpu.memref_slice %arg4[%mul3A_2, %dma_wait3A_599, %dma_wait3A_600] : memref<16384x50x64xf32, #tpu.memory_space<hbm>> -> memref<8x50x64xf32, #tpu.memory_space<hbm>>
          %dma_wait3A_602 = arith.constant 0 : i32
          %dma_wait3A_603 = arith.constant 0 : i32
          %dma_wait3A_604 = tpu.memref_slice %arg4[%mul3A_2, %dma_wait3A_602, %dma_wait3A_603] : memref<16384x50x64xf32, #tpu.memory_space<hbm>> -> memref<8x50x64xf32, #tpu.memory_space<hbm>>
          %dma_wait3A_605 = arith.constant 0 : i32
          %dma_wait3A_606 = arith.constant 0 : i32
          %dma_wait3A_607 = arith.constant 0 : i32
          %dma_wait3A_608 = tpu.memref_slice %arg6[%dma_wait3A_593, %dma_wait3A_605, %dma_wait3A_606, %dma_wait3A_607] : memref<2x8x50x64xf32, #tpu.memory_space<vmem>> -> memref<1x8x50x64xf32, #tpu.memory_space<vmem>>
          %dma_wait3A_609 = tpu.memref_squeeze %dma_wait3A_608 : memref<1x8x50x64xf32, #tpu.memory_space<vmem>> -> memref<8x50x64xf32, #tpu.memory_space<vmem>>
          tpu.wait_dma2 semaphore(%arg9 : memref<!tpu.dma_semaphore, #tpu.memory_space<semaphore_mem>>) src(%dma_wait3A_609 : memref<8x50x64xf32, #tpu.memory_space<vmem>>) dst(%dma_wait3A_604 : memref<8x50x64xf32, #tpu.memory_space<hbm>>)
        } else {
        }
        %add3A_463 = arith.constant 1 : i32
        %add3A_464 = arith.addi %add3A_303, %add3A_463 : i32
        %mul3A_465 = arith.constant 8 : i32
        %mul3A_466 = arith.muli %add3A_464, %mul3A_465 : i32
        %add3A_467 = arith.constant 0 : i32
        %add3A_468 = arith.addi %mul3A_466, %add3A_467 : i32
        %dma_start3A_469 = arith.constant 0 : i32
        %dma_start3A_470 = arith.constant 0 : i32
        %dma_start3A_471 = arith.constant 0 : i32
        %dma_start3A_472 = arith.constant 0 : i32
        %dma_start3A_473 = tpu.memref_slice %arg6[%dma_start3A_469, %dma_start3A_470, %dma_start3A_471, %dma_start3A_472] : memref<2x8x50x64xf32, #tpu.memory_space<vmem>> -> memref<1x1x50x64xf32, #tpu.memory_space<vmem>>
        %dma_start3A_474 = tpu.memref_squeeze %dma_start3A_473 : memref<1x1x50x64xf32, #tpu.memory_space<vmem>> -> memref<50x64xf32, #tpu.memory_space<vmem>>
        %dma_start3A_475 = arith.constant 0 : i32
        %dma_start3A_476 = tpu.memref_slice %arg5[%add3A_468, %dma_start3A_475] : memref<512x50xi32, #tpu.memory_space<vmem>> -> memref<1x50xi32, #tpu.memory_space<vmem>>
        %dma_start3A_477 = tpu.memref_squeeze %dma_start3A_476 : memref<1x50xi32, #tpu.memory_space<vmem>> -> memref<50xi32, #tpu.memory_space<vmem>>
        %dma_start3A_478 = arith.constant 0 : i32
        %dma_start3A_479 = arith.constant 0 : i32
        %dma_start3A_480 = tpu.memref_slice %arg2[%dma_start3A_478, %dma_start3A_479] : memref<1000000x64xf32, #tpu.memory_space<hbm>> -> memref<1000000x64xf32, #tpu.memory_space<hbm>>
        tpu.enqueue_indirect_dma source(%dma_start3A_480 : memref<1000000x64xf32, #tpu.memory_space<hbm>>) target(%dma_start3A_474 : memref<50x64xf32, #tpu.memory_space<vmem>>) offsets(%dma_start3A_477 : memref<50xi32, #tpu.memory_space<vmem>>) semaphore(%arg7 : memref<!tpu.dma_semaphore, #tpu.memory_space<semaphore_mem>>)
        %mul3A_481 = arith.constant 8 : i32
        %mul3A_482 = arith.muli %add3A_464, %mul3A_481 : i32
        %add3A_483 = arith.constant 1 : i32
        %add3A_484 = arith.addi %mul3A_482, %add3A_483 : i32
        %dma_start3A_485 = arith.constant 0 : i32
        %dma_start3A_486 = arith.constant 1 : i32
        %dma_start3A_487 = arith.constant 0 : i32
        %dma_start3A_488 = arith.constant 0 : i32
        %dma_start3A_489 = tpu.memref_slice %arg6[%dma_start3A_485, %dma_start3A_486, %dma_start3A_487, %dma_start3A_488] : memref<2x8x50x64xf32, #tpu.memory_space<vmem>> -> memref<1x1x50x64xf32, #tpu.memory_space<vmem>>
        %dma_start3A_490 = tpu.memref_squeeze %dma_start3A_489 : memref<1x1x50x64xf32, #tpu.memory_space<vmem>> -> memref<50x64xf32, #tpu.memory_space<vmem>>
        %dma_start3A_491 = arith.constant 0 : i32
        %dma_start3A_492 = tpu.memref_slice %arg5[%add3A_484, %dma_start3A_491] : memref<512x50xi32, #tpu.memory_space<vmem>> -> memref<1x50xi32, #tpu.memory_space<vmem>>
        %dma_start3A_493 = tpu.memref_squeeze %dma_start3A_492 : memref<1x50xi32, #tpu.memory_space<vmem>> -> memref<50xi32, #tpu.memory_space<vmem>>
        %dma_start3A_494 = arith.constant 0 : i32
        %dma_start3A_495 = arith.constant 0 : i32
        %dma_start3A_496 = tpu.memref_slice %arg2[%dma_start3A_494, %dma_start3A_495] : memref<1000000x64xf32, #tpu.memory_space<hbm>> -> memref<1000000x64xf32, #tpu.memory_space<hbm>>
        tpu.enqueue_indirect_dma source(%dma_start3A_496 : memref<1000000x64xf32, #tpu.memory_space<hbm>>) target(%dma_start3A_490 : memref<50x64xf32, #tpu.memory_space<vmem>>) offsets(%dma_start3A_493 : memref<50xi32, #tpu.memory_space<vmem>>) semaphore(%arg7 : memref<!tpu.dma_semaphore, #tpu.memory_space<semaphore_mem>>)
        %mul3A_497 = arith.constant 8 : i32
        %mul3A_498 = arith.muli %add3A_464, %mul3A_497 : i32
        %add3A_499 = arith.constant 2 : i32
        %add3A_500 = arith.addi %mul3A_498, %add3A_499 : i32
        %dma_start3A_501 = arith.constant 0 : i32
        %dma_start3A_502 = arith.constant 2 : i32
        %dma_start3A_503 = arith.constant 0 : i32
        %dma_start3A_504 = arith.constant 0 : i32
        %dma_start3A_505 = tpu.memref_slice %arg6[%dma_start3A_501, %dma_start3A_502, %dma_start3A_503, %dma_start3A_504] : memref<2x8x50x64xf32, #tpu.memory_space<vmem>> -> memref<1x1x50x64xf32, #tpu.memory_space<vmem>>
        %dma_start3A_506 = tpu.memref_squeeze %dma_start3A_505 : memref<1x1x50x64xf32, #tpu.memory_space<vmem>> -> memref<50x64xf32, #tpu.memory_space<vmem>>
        %dma_start3A_507 = arith.constant 0 : i32
        %dma_start3A_508 = tpu.memref_slice %arg5[%add3A_500, %dma_start3A_507] : memref<512x50xi32, #tpu.memory_space<vmem>> -> memref<1x50xi32, #tpu.memory_space<vmem>>
        %dma_start3A_509 = tpu.memref_squeeze %dma_start3A_508 : memref<1x50xi32, #tpu.memory_space<vmem>> -> memref<50xi32, #tpu.memory_space<vmem>>
        %dma_start3A_510 = arith.constant 0 : i32
        %dma_start3A_511 = arith.constant 0 : i32
        %dma_start3A_512 = tpu.memref_slice %arg2[%dma_start3A_510, %dma_start3A_511] : memref<1000000x64xf32, #tpu.memory_space<hbm>> -> memref<1000000x64xf32, #tpu.memory_space<hbm>>
        tpu.enqueue_indirect_dma source(%dma_start3A_512 : memref<1000000x64xf32, #tpu.memory_space<hbm>>) target(%dma_start3A_506 : memref<50x64xf32, #tpu.memory_space<vmem>>) offsets(%dma_start3A_509 : memref<50xi32, #tpu.memory_space<vmem>>) semaphore(%arg7 : memref<!tpu.dma_semaphore, #tpu.memory_space<semaphore_mem>>)
        %mul3A_513 = arith.constant 8 : i32
        %mul3A_514 = arith.muli %add3A_464, %mul3A_513 : i32
        %add3A_515 = arith.constant 3 : i32
        %add3A_516 = arith.addi %mul3A_514, %add3A_515 : i32
        %dma_start3A_517 = arith.constant 0 : i32
        %dma_start3A_518 = arith.constant 3 : i32
        %dma_start3A_519 = arith.constant 0 : i32
        %dma_start3A_520 = arith.constant 0 : i32
        %dma_start3A_521 = tpu.memref_slice %arg6[%dma_start3A_517, %dma_start3A_518, %dma_start3A_519, %dma_start3A_520] : memref<2x8x50x64xf32, #tpu.memory_space<vmem>> -> memref<1x1x50x64xf32, #tpu.memory_space<vmem>>
        %dma_start3A_522 = tpu.memref_squeeze %dma_start3A_521 : memref<1x1x50x64xf32, #tpu.memory_space<vmem>> -> memref<50x64xf32, #tpu.memory_space<vmem>>
        %dma_start3A_523 = arith.constant 0 : i32
        %dma_start3A_524 = tpu.memref_slice %arg5[%add3A_516, %dma_start3A_523] : memref<512x50xi32, #tpu.memory_space<vmem>> -> memref<1x50xi32, #tpu.memory_space<vmem>>
        %dma_start3A_525 = tpu.memref_squeeze %dma_start3A_524 : memref<1x50xi32, #tpu.memory_space<vmem>> -> memref<50xi32, #tpu.memory_space<vmem>>
        %dma_start3A_526 = arith.constant 0 : i32
        %dma_start3A_527 = arith.constant 0 : i32
        %dma_start3A_528 = tpu.memref_slice %arg2[%dma_start3A_526, %dma_start3A_527] : memref<1000000x64xf32, #tpu.memory_space<hbm>> -> memref<1000000x64xf32, #tpu.memory_space<hbm>>
        tpu.enqueue_indirect_dma source(%dma_start3A_528 : memref<1000000x64xf32, #tpu.memory_space<hbm>>) target(%dma_start3A_522 : memref<50x64xf32, #tpu.memory_space<vmem>>) offsets(%dma_start3A_525 : memref<50xi32, #tpu.memory_space<vmem>>) semaphore(%arg7 : memref<!tpu.dma_semaphore, #tpu.memory_space<semaphore_mem>>)
        %mul3A_529 = arith.constant 8 : i32
        %mul3A_530 = arith.muli %add3A_464, %mul3A_529 : i32
        %add3A_531 = arith.constant 4 : i32
        %add3A_532 = arith.addi %mul3A_530, %add3A_531 : i32
        %dma_start3A_533 = arith.constant 0 : i32
        %dma_start3A_534 = arith.constant 4 : i32
        %dma_start3A_535 = arith.constant 0 : i32
        %dma_start3A_536 = arith.constant 0 : i32
        %dma_start3A_537 = tpu.memref_slice %arg6[%dma_start3A_533, %dma_start3A_534, %dma_start3A_535, %dma_start3A_536] : memref<2x8x50x64xf32, #tpu.memory_space<vmem>> -> memref<1x1x50x64xf32, #tpu.memory_space<vmem>>
        %dma_start3A_538 = tpu.memref_squeeze %dma_start3A_537 : memref<1x1x50x64xf32, #tpu.memory_space<vmem>> -> memref<50x64xf32, #tpu.memory_space<vmem>>
        %dma_start3A_539 = arith.constant 0 : i32
        %dma_start3A_540 = tpu.memref_slice %arg5[%add3A_532, %dma_start3A_539] : memref<512x50xi32, #tpu.memory_space<vmem>> -> memref<1x50xi32, #tpu.memory_space<vmem>>
        %dma_start3A_541 = tpu.memref_squeeze %dma_start3A_540 : memref<1x50xi32, #tpu.memory_space<vmem>> -> memref<50xi32, #tpu.memory_space<vmem>>
        %dma_start3A_542 = arith.constant 0 : i32
        %dma_start3A_543 = arith.constant 0 : i32
        %dma_start3A_544 = tpu.memref_slice %arg2[%dma_start3A_542, %dma_start3A_543] : memref<1000000x64xf32, #tpu.memory_space<hbm>> -> memref<1000000x64xf32, #tpu.memory_space<hbm>>
        tpu.enqueue_indirect_dma source(%dma_start3A_544 : memref<1000000x64xf32, #tpu.memory_space<hbm>>) target(%dma_start3A_538 : memref<50x64xf32, #tpu.memory_space<vmem>>) offsets(%dma_start3A_541 : memref<50xi32, #tpu.memory_space<vmem>>) semaphore(%arg7 : memref<!tpu.dma_semaphore, #tpu.memory_space<semaphore_mem>>)
        %mul3A_545 = arith.constant 8 : i32
        %mul3A_546 = arith.muli %add3A_464, %mul3A_545 : i32
        %add3A_547 = arith.constant 5 : i32
        %add3A_548 = arith.addi %mul3A_546, %add3A_547 : i32
        %dma_start3A_549 = arith.constant 0 : i32
        %dma_start3A_550 = arith.constant 5 : i32
        %dma_start3A_551 = arith.constant 0 : i32
        %dma_start3A_552 = arith.constant 0 : i32
        %dma_start3A_553 = tpu.memref_slice %arg6[%dma_start3A_549, %dma_start3A_550, %dma_start3A_551, %dma_start3A_552] : memref<2x8x50x64xf32, #tpu.memory_space<vmem>> -> memref<1x1x50x64xf32, #tpu.memory_space<vmem>>
        %dma_start3A_554 = tpu.memref_squeeze %dma_start3A_553 : memref<1x1x50x64xf32, #tpu.memory_space<vmem>> -> memref<50x64xf32, #tpu.memory_space<vmem>>
        %dma_start3A_555 = arith.constant 0 : i32
        %dma_start3A_556 = tpu.memref_slice %arg5[%add3A_548, %dma_start3A_555] : memref<512x50xi32, #tpu.memory_space<vmem>> -> memref<1x50xi32, #tpu.memory_space<vmem>>
        %dma_start3A_557 = tpu.memref_squeeze %dma_start3A_556 : memref<1x50xi32, #tpu.memory_space<vmem>> -> memref<50xi32, #tpu.memory_space<vmem>>
        %dma_start3A_558 = arith.constant 0 : i32
        %dma_start3A_559 = arith.constant 0 : i32
        %dma_start3A_560 = tpu.memref_slice %arg2[%dma_start3A_558, %dma_start3A_559] : memref<1000000x64xf32, #tpu.memory_space<hbm>> -> memref<1000000x64xf32, #tpu.memory_space<hbm>>
        tpu.enqueue_indirect_dma source(%dma_start3A_560 : memref<1000000x64xf32, #tpu.memory_space<hbm>>) target(%dma_start3A_554 : memref<50x64xf32, #tpu.memory_space<vmem>>) offsets(%dma_start3A_557 : memref<50xi32, #tpu.memory_space<vmem>>) semaphore(%arg7 : memref<!tpu.dma_semaphore, #tpu.memory_space<semaphore_mem>>)
        %mul3A_561 = arith.constant 8 : i32
        %mul3A_562 = arith.muli %add3A_464, %mul3A_561 : i32
        %add3A_563 = arith.constant 6 : i32
        %add3A_564 = arith.addi %mul3A_562, %add3A_563 : i32
        %dma_start3A_565 = arith.constant 0 : i32
        %dma_start3A_566 = arith.constant 6 : i32
        %dma_start3A_567 = arith.constant 0 : i32
        %dma_start3A_568 = arith.constant 0 : i32
        %dma_start3A_569 = tpu.memref_slice %arg6[%dma_start3A_565, %dma_start3A_566, %dma_start3A_567, %dma_start3A_568] : memref<2x8x50x64xf32, #tpu.memory_space<vmem>> -> memref<1x1x50x64xf32, #tpu.memory_space<vmem>>
        %dma_start3A_570 = tpu.memref_squeeze %dma_start3A_569 : memref<1x1x50x64xf32, #tpu.memory_space<vmem>> -> memref<50x64xf32, #tpu.memory_space<vmem>>
        %dma_start3A_571 = arith.constant 0 : i32
        %dma_start3A_572 = tpu.memref_slice %arg5[%add3A_564, %dma_start3A_571] : memref<512x50xi32, #tpu.memory_space<vmem>> -> memref<1x50xi32, #tpu.memory_space<vmem>>
        %dma_start3A_573 = tpu.memref_squeeze %dma_start3A_572 : memref<1x50xi32, #tpu.memory_space<vmem>> -> memref<50xi32, #tpu.memory_space<vmem>>
        %dma_start3A_574 = arith.constant 0 : i32
        %dma_start3A_575 = arith.constant 0 : i32
        %dma_start3A_576 = tpu.memref_slice %arg2[%dma_start3A_574, %dma_start3A_575] : memref<1000000x64xf32, #tpu.memory_space<hbm>> -> memref<1000000x64xf32, #tpu.memory_space<hbm>>
        tpu.enqueue_indirect_dma source(%dma_start3A_576 : memref<1000000x64xf32, #tpu.memory_space<hbm>>) target(%dma_start3A_570 : memref<50x64xf32, #tpu.memory_space<vmem>>) offsets(%dma_start3A_573 : memref<50xi32, #tpu.memory_space<vmem>>) semaphore(%arg7 : memref<!tpu.dma_semaphore, #tpu.memory_space<semaphore_mem>>)
        %mul3A_577 = arith.constant 8 : i32
        %mul3A_578 = arith.muli %add3A_464, %mul3A_577 : i32
        %add3A_579 = arith.constant 7 : i32
        %add3A_580 = arith.addi %mul3A_578, %add3A_579 : i32
        %dma_start3A_581 = arith.constant 0 : i32
        %dma_start3A_582 = arith.constant 7 : i32
        %dma_start3A_583 = arith.constant 0 : i32
        %dma_start3A_584 = arith.constant 0 : i32
        %dma_start3A_585 = tpu.memref_slice %arg6[%dma_start3A_581, %dma_start3A_582, %dma_start3A_583, %dma_start3A_584] : memref<2x8x50x64xf32, #tpu.memory_space<vmem>> -> memref<1x1x50x64xf32, #tpu.memory_space<vmem>>
        %dma_start3A_586 = tpu.memref_squeeze %dma_start3A_585 : memref<1x1x50x64xf32, #tpu.memory_space<vmem>> -> memref<50x64xf32, #tpu.memory_space<vmem>>
        %dma_start3A_587 = arith.constant 0 : i32
        %dma_start3A_588 = tpu.memref_slice %arg5[%add3A_580, %dma_start3A_587] : memref<512x50xi32, #tpu.memory_space<vmem>> -> memref<1x50xi32, #tpu.memory_space<vmem>>
        %dma_start3A_589 = tpu.memref_squeeze %dma_start3A_588 : memref<1x50xi32, #tpu.memory_space<vmem>> -> memref<50xi32, #tpu.memory_space<vmem>>
        %dma_start3A_590 = arith.constant 0 : i32
        %dma_start3A_591 = arith.constant 0 : i32
        %dma_start3A_592 = tpu.memref_slice %arg2[%dma_start3A_590, %dma_start3A_591] : memref<1000000x64xf32, #tpu.memory_space<hbm>> -> memref<1000000x64xf32, #tpu.memory_space<hbm>>
        tpu.enqueue_indirect_dma source(%dma_start3A_592 : memref<1000000x64xf32, #tpu.memory_space<hbm>>) target(%dma_start3A_586 : memref<50x64xf32, #tpu.memory_space<vmem>>) offsets(%dma_start3A_589 : memref<50xi32, #tpu.memory_space<vmem>>) semaphore(%arg7 : memref<!tpu.dma_semaphore, #tpu.memory_space<semaphore_mem>>)
      } else {
      }
      %dma_wait3A_311 = arith.constant 1 : i32
      %dma_wait3A_312 = arith.constant 0 : i32
      %dma_wait3A_313 = arith.constant 0 : i32
      %dma_wait3A_314 = arith.constant 0 : i32
      %dma_wait3A_315 = tpu.memref_slice %arg6[%dma_wait3A_311, %dma_wait3A_312, %dma_wait3A_313, %dma_wait3A_314] : memref<2x8x50x64xf32, #tpu.memory_space<vmem>> -> memref<1x1x50x64xf32, #tpu.memory_space<vmem>>
      %dma_wait3A_316 = tpu.memref_squeeze %dma_wait3A_315 : memref<1x1x50x64xf32, #tpu.memory_space<vmem>> -> memref<50x64xf32, #tpu.memory_space<vmem>>
      %dma_wait3A_317 = arith.constant 0 : i32
      %dma_wait3A_318 = arith.constant 0 : i32
      %dma_wait3A_319 = tpu.memref_slice %arg2[%dma_wait3A_317, %dma_wait3A_318] : memref<1000000x64xf32, #tpu.memory_space<hbm>> -> memref<50x64xf32, #tpu.memory_space<hbm>>
      %dma_wait3A_320 = arith.constant 0 : i32
      %dma_wait3A_321 = arith.constant 0 : i32
      %dma_wait3A_322 = tpu.memref_slice %arg6[%dma_wait3A_311, %dma_wait3A_312, %dma_wait3A_320, %dma_wait3A_321] : memref<2x8x50x64xf32, #tpu.memory_space<vmem>> -> memref<1x1x50x64xf32, #tpu.memory_space<vmem>>
      %dma_wait3A_323 = tpu.memref_squeeze %dma_wait3A_322 : memref<1x1x50x64xf32, #tpu.memory_space<vmem>> -> memref<50x64xf32, #tpu.memory_space<vmem>>
      %dma_wait3A_324 = arith.constant 0 : i32
      %dma_wait3A_325 = arith.constant 0 : i32
      %dma_wait3A_326 = tpu.memref_slice %arg2[%dma_wait3A_324, %dma_wait3A_325] : memref<1000000x64xf32, #tpu.memory_space<hbm>> -> memref<50x64xf32, #tpu.memory_space<hbm>>
      tpu.wait_dma2 semaphore(%arg8 : memref<!tpu.dma_semaphore, #tpu.memory_space<semaphore_mem>>) src(%dma_wait3A_326 : memref<50x64xf32, #tpu.memory_space<hbm>>) dst(%dma_wait3A_323 : memref<50x64xf32, #tpu.memory_space<vmem>>)
      %dma_wait3A_327 = arith.constant 1 : i32
      %dma_wait3A_328 = arith.constant 1 : i32
      %dma_wait3A_329 = arith.constant 0 : i32
      %dma_wait3A_330 = arith.constant 0 : i32
      %dma_wait3A_331 = tpu.memref_slice %arg6[%dma_wait3A_327, %dma_wait3A_328, %dma_wait3A_329, %dma_wait3A_330] : memref<2x8x50x64xf32, #tpu.memory_space<vmem>> -> memref<1x1x50x64xf32, #tpu.memory_space<vmem>>
      %dma_wait3A_332 = tpu.memref_squeeze %dma_wait3A_331 : memref<1x1x50x64xf32, #tpu.memory_space<vmem>> -> memref<50x64xf32, #tpu.memory_space<vmem>>
      %dma_wait3A_333 = arith.constant 0 : i32
      %dma_wait3A_334 = arith.constant 0 : i32
      %dma_wait3A_335 = tpu.memref_slice %arg2[%dma_wait3A_333, %dma_wait3A_334] : memref<1000000x64xf32, #tpu.memory_space<hbm>> -> memref<50x64xf32, #tpu.memory_space<hbm>>
      %dma_wait3A_336 = arith.constant 0 : i32
      %dma_wait3A_337 = arith.constant 0 : i32
      %dma_wait3A_338 = tpu.memref_slice %arg6[%dma_wait3A_327, %dma_wait3A_328, %dma_wait3A_336, %dma_wait3A_337] : memref<2x8x50x64xf32, #tpu.memory_space<vmem>> -> memref<1x1x50x64xf32, #tpu.memory_space<vmem>>
      %dma_wait3A_339 = tpu.memref_squeeze %dma_wait3A_338 : memref<1x1x50x64xf32, #tpu.memory_space<vmem>> -> memref<50x64xf32, #tpu.memory_space<vmem>>
      %dma_wait3A_340 = arith.constant 0 : i32
      %dma_wait3A_341 = arith.constant 0 : i32
      %dma_wait3A_342 = tpu.memref_slice %arg2[%dma_wait3A_340, %dma_wait3A_341] : memref<1000000x64xf32, #tpu.memory_space<hbm>> -> memref<50x64xf32, #tpu.memory_space<hbm>>
      tpu.wait_dma2 semaphore(%arg8 : memref<!tpu.dma_semaphore, #tpu.memory_space<semaphore_mem>>) src(%dma_wait3A_342 : memref<50x64xf32, #tpu.memory_space<hbm>>) dst(%dma_wait3A_339 : memref<50x64xf32, #tpu.memory_space<vmem>>)
      %dma_wait3A_343 = arith.constant 1 : i32
      %dma_wait3A_344 = arith.constant 2 : i32
      %dma_wait3A_345 = arith.constant 0 : i32
      %dma_wait3A_346 = arith.constant 0 : i32
      %dma_wait3A_347 = tpu.memref_slice %arg6[%dma_wait3A_343, %dma_wait3A_344, %dma_wait3A_345, %dma_wait3A_346] : memref<2x8x50x64xf32, #tpu.memory_space<vmem>> -> memref<1x1x50x64xf32, #tpu.memory_space<vmem>>
      %dma_wait3A_348 = tpu.memref_squeeze %dma_wait3A_347 : memref<1x1x50x64xf32, #tpu.memory_space<vmem>> -> memref<50x64xf32, #tpu.memory_space<vmem>>
      %dma_wait3A_349 = arith.constant 0 : i32
      %dma_wait3A_350 = arith.constant 0 : i32
      %dma_wait3A_351 = tpu.memref_slice %arg2[%dma_wait3A_349, %dma_wait3A_350] : memref<1000000x64xf32, #tpu.memory_space<hbm>> -> memref<50x64xf32, #tpu.memory_space<hbm>>
      %dma_wait3A_352 = arith.constant 0 : i32
      %dma_wait3A_353 = arith.constant 0 : i32
      %dma_wait3A_354 = tpu.memref_slice %arg6[%dma_wait3A_343, %dma_wait3A_344, %dma_wait3A_352, %dma_wait3A_353] : memref<2x8x50x64xf32, #tpu.memory_space<vmem>> -> memref<1x1x50x64xf32, #tpu.memory_space<vmem>>
      %dma_wait3A_355 = tpu.memref_squeeze %dma_wait3A_354 : memref<1x1x50x64xf32, #tpu.memory_space<vmem>> -> memref<50x64xf32, #tpu.memory_space<vmem>>
      %dma_wait3A_356 = arith.constant 0 : i32
      %dma_wait3A_357 = arith.constant 0 : i32
      %dma_wait3A_358 = tpu.memref_slice %arg2[%dma_wait3A_356, %dma_wait3A_357] : memref<1000000x64xf32, #tpu.memory_space<hbm>> -> memref<50x64xf32, #tpu.memory_space<hbm>>
      tpu.wait_dma2 semaphore(%arg8 : memref<!tpu.dma_semaphore, #tpu.memory_space<semaphore_mem>>) src(%dma_wait3A_358 : memref<50x64xf32, #tpu.memory_space<hbm>>) dst(%dma_wait3A_355 : memref<50x64xf32, #tpu.memory_space<vmem>>)
      %dma_wait3A_359 = arith.constant 1 : i32
      %dma_wait3A_360 = arith.constant 3 : i32
      %dma_wait3A_361 = arith.constant 0 : i32
      %dma_wait3A_362 = arith.constant 0 : i32
      %dma_wait3A_363 = tpu.memref_slice %arg6[%dma_wait3A_359, %dma_wait3A_360, %dma_wait3A_361, %dma_wait3A_362] : memref<2x8x50x64xf32, #tpu.memory_space<vmem>> -> memref<1x1x50x64xf32, #tpu.memory_space<vmem>>
      %dma_wait3A_364 = tpu.memref_squeeze %dma_wait3A_363 : memref<1x1x50x64xf32, #tpu.memory_space<vmem>> -> memref<50x64xf32, #tpu.memory_space<vmem>>
      %dma_wait3A_365 = arith.constant 0 : i32
      %dma_wait3A_366 = arith.constant 0 : i32
      %dma_wait3A_367 = tpu.memref_slice %arg2[%dma_wait3A_365, %dma_wait3A_366] : memref<1000000x64xf32, #tpu.memory_space<hbm>> -> memref<50x64xf32, #tpu.memory_space<hbm>>
      %dma_wait3A_368 = arith.constant 0 : i32
      %dma_wait3A_369 = arith.constant 0 : i32
      %dma_wait3A_370 = tpu.memref_slice %arg6[%dma_wait3A_359, %dma_wait3A_360, %dma_wait3A_368, %dma_wait3A_369] : memref<2x8x50x64xf32, #tpu.memory_space<vmem>> -> memref<1x1x50x64xf32, #tpu.memory_space<vmem>>
      %dma_wait3A_371 = tpu.memref_squeeze %dma_wait3A_370 : memref<1x1x50x64xf32, #tpu.memory_space<vmem>> -> memref<50x64xf32, #tpu.memory_space<vmem>>
      %dma_wait3A_372 = arith.constant 0 : i32
      %dma_wait3A_373 = arith.constant 0 : i32
      %dma_wait3A_374 = tpu.memref_slice %arg2[%dma_wait3A_372, %dma_wait3A_373] : memref<1000000x64xf32, #tpu.memory_space<hbm>> -> memref<50x64xf32, #tpu.memory_space<hbm>>
      tpu.wait_dma2 semaphore(%arg8 : memref<!tpu.dma_semaphore, #tpu.memory_space<semaphore_mem>>) src(%dma_wait3A_374 : memref<50x64xf32, #tpu.memory_space<hbm>>) dst(%dma_wait3A_371 : memref<50x64xf32, #tpu.memory_space<vmem>>)
      %dma_wait3A_375 = arith.constant 1 : i32
      %dma_wait3A_376 = arith.constant 4 : i32
      %dma_wait3A_377 = arith.constant 0 : i32
      %dma_wait3A_378 = arith.constant 0 : i32
      %dma_wait3A_379 = tpu.memref_slice %arg6[%dma_wait3A_375, %dma_wait3A_376, %dma_wait3A_377, %dma_wait3A_378] : memref<2x8x50x64xf32, #tpu.memory_space<vmem>> -> memref<1x1x50x64xf32, #tpu.memory_space<vmem>>
      %dma_wait3A_380 = tpu.memref_squeeze %dma_wait3A_379 : memref<1x1x50x64xf32, #tpu.memory_space<vmem>> -> memref<50x64xf32, #tpu.memory_space<vmem>>
      %dma_wait3A_381 = arith.constant 0 : i32
      %dma_wait3A_382 = arith.constant 0 : i32
      %dma_wait3A_383 = tpu.memref_slice %arg2[%dma_wait3A_381, %dma_wait3A_382] : memref<1000000x64xf32, #tpu.memory_space<hbm>> -> memref<50x64xf32, #tpu.memory_space<hbm>>
      %dma_wait3A_384 = arith.constant 0 : i32
      %dma_wait3A_385 = arith.constant 0 : i32
      %dma_wait3A_386 = tpu.memref_slice %arg6[%dma_wait3A_375, %dma_wait3A_376, %dma_wait3A_384, %dma_wait3A_385] : memref<2x8x50x64xf32, #tpu.memory_space<vmem>> -> memref<1x1x50x64xf32, #tpu.memory_space<vmem>>
      %dma_wait3A_387 = tpu.memref_squeeze %dma_wait3A_386 : memref<1x1x50x64xf32, #tpu.memory_space<vmem>> -> memref<50x64xf32, #tpu.memory_space<vmem>>
      %dma_wait3A_388 = arith.constant 0 : i32
      %dma_wait3A_389 = arith.constant 0 : i32
      %dma_wait3A_390 = tpu.memref_slice %arg2[%dma_wait3A_388, %dma_wait3A_389] : memref<1000000x64xf32, #tpu.memory_space<hbm>> -> memref<50x64xf32, #tpu.memory_space<hbm>>
      tpu.wait_dma2 semaphore(%arg8 : memref<!tpu.dma_semaphore, #tpu.memory_space<semaphore_mem>>) src(%dma_wait3A_390 : memref<50x64xf32, #tpu.memory_space<hbm>>) dst(%dma_wait3A_387 : memref<50x64xf32, #tpu.memory_space<vmem>>)
      %dma_wait3A_391 = arith.constant 1 : i32
      %dma_wait3A_392 = arith.constant 5 : i32
      %dma_wait3A_393 = arith.constant 0 : i32
      %dma_wait3A_394 = arith.constant 0 : i32
      %dma_wait3A_395 = tpu.memref_slice %arg6[%dma_wait3A_391, %dma_wait3A_392, %dma_wait3A_393, %dma_wait3A_394] : memref<2x8x50x64xf32, #tpu.memory_space<vmem>> -> memref<1x1x50x64xf32, #tpu.memory_space<vmem>>
      %dma_wait3A_396 = tpu.memref_squeeze %dma_wait3A_395 : memref<1x1x50x64xf32, #tpu.memory_space<vmem>> -> memref<50x64xf32, #tpu.memory_space<vmem>>
      %dma_wait3A_397 = arith.constant 0 : i32
      %dma_wait3A_398 = arith.constant 0 : i32
      %dma_wait3A_399 = tpu.memref_slice %arg2[%dma_wait3A_397, %dma_wait3A_398] : memref<1000000x64xf32, #tpu.memory_space<hbm>> -> memref<50x64xf32, #tpu.memory_space<hbm>>
      %dma_wait3A_400 = arith.constant 0 : i32
      %dma_wait3A_401 = arith.constant 0 : i32
      %dma_wait3A_402 = tpu.memref_slice %arg6[%dma_wait3A_391, %dma_wait3A_392, %dma_wait3A_400, %dma_wait3A_401] : memref<2x8x50x64xf32, #tpu.memory_space<vmem>> -> memref<1x1x50x64xf32, #tpu.memory_space<vmem>>
      %dma_wait3A_403 = tpu.memref_squeeze %dma_wait3A_402 : memref<1x1x50x64xf32, #tpu.memory_space<vmem>> -> memref<50x64xf32, #tpu.memory_space<vmem>>
      %dma_wait3A_404 = arith.constant 0 : i32
      %dma_wait3A_405 = arith.constant 0 : i32
      %dma_wait3A_406 = tpu.memref_slice %arg2[%dma_wait3A_404, %dma_wait3A_405] : memref<1000000x64xf32, #tpu.memory_space<hbm>> -> memref<50x64xf32, #tpu.memory_space<hbm>>
      tpu.wait_dma2 semaphore(%arg8 : memref<!tpu.dma_semaphore, #tpu.memory_space<semaphore_mem>>) src(%dma_wait3A_406 : memref<50x64xf32, #tpu.memory_space<hbm>>) dst(%dma_wait3A_403 : memref<50x64xf32, #tpu.memory_space<vmem>>)
      %dma_wait3A_407 = arith.constant 1 : i32
      %dma_wait3A_408 = arith.constant 6 : i32
      %dma_wait3A_409 = arith.constant 0 : i32
      %dma_wait3A_410 = arith.constant 0 : i32
      %dma_wait3A_411 = tpu.memref_slice %arg6[%dma_wait3A_407, %dma_wait3A_408, %dma_wait3A_409, %dma_wait3A_410] : memref<2x8x50x64xf32, #tpu.memory_space<vmem>> -> memref<1x1x50x64xf32, #tpu.memory_space<vmem>>
      %dma_wait3A_412 = tpu.memref_squeeze %dma_wait3A_411 : memref<1x1x50x64xf32, #tpu.memory_space<vmem>> -> memref<50x64xf32, #tpu.memory_space<vmem>>
      %dma_wait3A_413 = arith.constant 0 : i32
      %dma_wait3A_414 = arith.constant 0 : i32
      %dma_wait3A_415 = tpu.memref_slice %arg2[%dma_wait3A_413, %dma_wait3A_414] : memref<1000000x64xf32, #tpu.memory_space<hbm>> -> memref<50x64xf32, #tpu.memory_space<hbm>>
      %dma_wait3A_416 = arith.constant 0 : i32
      %dma_wait3A_417 = arith.constant 0 : i32
      %dma_wait3A_418 = tpu.memref_slice %arg6[%dma_wait3A_407, %dma_wait3A_408, %dma_wait3A_416, %dma_wait3A_417] : memref<2x8x50x64xf32, #tpu.memory_space<vmem>> -> memref<1x1x50x64xf32, #tpu.memory_space<vmem>>
      %dma_wait3A_419 = tpu.memref_squeeze %dma_wait3A_418 : memref<1x1x50x64xf32, #tpu.memory_space<vmem>> -> memref<50x64xf32, #tpu.memory_space<vmem>>
      %dma_wait3A_420 = arith.constant 0 : i32
      %dma_wait3A_421 = arith.constant 0 : i32
      %dma_wait3A_422 = tpu.memref_slice %arg2[%dma_wait3A_420, %dma_wait3A_421] : memref<1000000x64xf32, #tpu.memory_space<hbm>> -> memref<50x64xf32, #tpu.memory_space<hbm>>
      tpu.wait_dma2 semaphore(%arg8 : memref<!tpu.dma_semaphore, #tpu.memory_space<semaphore_mem>>) src(%dma_wait3A_422 : memref<50x64xf32, #tpu.memory_space<hbm>>) dst(%dma_wait3A_419 : memref<50x64xf32, #tpu.memory_space<vmem>>)
      %dma_wait3A_423 = arith.constant 1 : i32
      %dma_wait3A_424 = arith.constant 7 : i32
      %dma_wait3A_425 = arith.constant 0 : i32
      %dma_wait3A_426 = arith.constant 0 : i32
      %dma_wait3A_427 = tpu.memref_slice %arg6[%dma_wait3A_423, %dma_wait3A_424, %dma_wait3A_425, %dma_wait3A_426] : memref<2x8x50x64xf32, #tpu.memory_space<vmem>> -> memref<1x1x50x64xf32, #tpu.memory_space<vmem>>
      %dma_wait3A_428 = tpu.memref_squeeze %dma_wait3A_427 : memref<1x1x50x64xf32, #tpu.memory_space<vmem>> -> memref<50x64xf32, #tpu.memory_space<vmem>>
      %dma_wait3A_429 = arith.constant 0 : i32
      %dma_wait3A_430 = arith.constant 0 : i32
      %dma_wait3A_431 = tpu.memref_slice %arg2[%dma_wait3A_429, %dma_wait3A_430] : memref<1000000x64xf32, #tpu.memory_space<hbm>> -> memref<50x64xf32, #tpu.memory_space<hbm>>
      %dma_wait3A_432 = arith.constant 0 : i32
      %dma_wait3A_433 = arith.constant 0 : i32
      %dma_wait3A_434 = tpu.memref_slice %arg6[%dma_wait3A_423, %dma_wait3A_424, %dma_wait3A_432, %dma_wait3A_433] : memref<2x8x50x64xf32, #tpu.memory_space<vmem>> -> memref<1x1x50x64xf32, #tpu.memory_space<vmem>>
      %dma_wait3A_435 = tpu.memref_squeeze %dma_wait3A_434 : memref<1x1x50x64xf32, #tpu.memory_space<vmem>> -> memref<50x64xf32, #tpu.memory_space<vmem>>
      %dma_wait3A_436 = arith.constant 0 : i32
      %dma_wait3A_437 = arith.constant 0 : i32
      %dma_wait3A_438 = tpu.memref_slice %arg2[%dma_wait3A_436, %dma_wait3A_437] : memref<1000000x64xf32, #tpu.memory_space<hbm>> -> memref<50x64xf32, #tpu.memory_space<hbm>>
      tpu.wait_dma2 semaphore(%arg8 : memref<!tpu.dma_semaphore, #tpu.memory_space<semaphore_mem>>) src(%dma_wait3A_438 : memref<50x64xf32, #tpu.memory_space<hbm>>) dst(%dma_wait3A_435 : memref<50x64xf32, #tpu.memory_space<vmem>>)
      %mul3A_439 = arith.constant 8 : i32
      %mul3A_440 = arith.muli %add3A_303, %mul3A_439 : i32
      %add3A_441 = arith.addi %mul3A_2, %mul3A_440 : i32
      %dma_start3A_442 = arith.constant 1 : i32
      %dma_start3A_443 = arith.constant 0 : i32
      %dma_start3A_444 = arith.constant 0 : i32
      %dma_start3A_445 = arith.constant 0 : i32
      %dma_start3A_446 = tpu.memref_slice %arg6[%dma_start3A_442, %dma_start3A_443, %dma_start3A_444, %dma_start3A_445] : memref<2x8x50x64xf32, #tpu.memory_space<vmem>> -> memref<1x8x50x64xf32, #tpu.memory_space<vmem>>
      %dma_start3A_447 = tpu.memref_squeeze %dma_start3A_446 : memref<1x8x50x64xf32, #tpu.memory_space<vmem>> -> memref<8x50x64xf32, #tpu.memory_space<vmem>>
      %dma_start3A_448 = arith.constant 0 : i32
      %dma_start3A_449 = arith.constant 0 : i32
      %dma_start3A_450 = tpu.memref_slice %arg4[%add3A_441, %dma_start3A_448, %dma_start3A_449] : memref<16384x50x64xf32, #tpu.memory_space<hbm>> -> memref<8x50x64xf32, #tpu.memory_space<hbm>>
      %dma_start3A_451 = arith.constant 0 : i32
      %dma_start3A_452 = arith.constant 0 : i32
      %dma_start3A_453 = tpu.memref_slice %arg4[%add3A_441, %dma_start3A_451, %dma_start3A_452] : memref<16384x50x64xf32, #tpu.memory_space<hbm>> -> memref<8x50x64xf32, #tpu.memory_space<hbm>>
      %dma_start3A_454 = arith.constant 0 : i32
      %dma_start3A_455 = arith.constant 0 : i32
      %dma_start3A_456 = arith.constant 0 : i32
      %dma_start3A_457 = tpu.memref_slice %arg6[%dma_start3A_442, %dma_start3A_454, %dma_start3A_455, %dma_start3A_456] : memref<2x8x50x64xf32, #tpu.memory_space<vmem>> -> memref<1x8x50x64xf32, #tpu.memory_space<vmem>>
      %dma_start3A_458 = tpu.memref_squeeze %dma_start3A_457 : memref<1x8x50x64xf32, #tpu.memory_space<vmem>> -> memref<8x50x64xf32, #tpu.memory_space<vmem>>
      tpu.enqueue_dma source(%dma_start3A_458 : memref<8x50x64xf32, #tpu.memory_space<vmem>>) target(%dma_start3A_453 : memref<8x50x64xf32, #tpu.memory_space<hbm>>) target_semaphore(%arg10 : memref<!tpu.dma_semaphore, #tpu.memory_space<semaphore_mem>>)
    }
    %scan3A_109 = arith.constant 32 : i32
    %dma_wait3A = arith.constant 0 : i32
    %dma_wait3A_110 = arith.constant 0 : i32
    %dma_wait3A_111 = arith.constant 0 : i32
    %dma_wait3A_112 = arith.constant 0 : i32
    %dma_wait3A_113 = tpu.memref_slice %arg6[%dma_wait3A, %dma_wait3A_110, %dma_wait3A_111, %dma_wait3A_112] : memref<2x8x50x64xf32, #tpu.memory_space<vmem>> -> memref<1x8x50x64xf32, #tpu.memory_space<vmem>>
    %dma_wait3A_114 = tpu.memref_squeeze %dma_wait3A_113 : memref<1x8x50x64xf32, #tpu.memory_space<vmem>> -> memref<8x50x64xf32, #tpu.memory_space<vmem>>
    %dma_wait3A_115 = arith.constant 0 : i32
    %dma_wait3A_116 = arith.constant 0 : i32
    %dma_wait3A_117 = tpu.memref_slice %arg4[%mul3A_2, %dma_wait3A_115, %dma_wait3A_116] : memref<16384x50x64xf32, #tpu.memory_space<hbm>> -> memref<8x50x64xf32, #tpu.memory_space<hbm>>
    %dma_wait3A_118 = arith.constant 0 : i32
    %dma_wait3A_119 = arith.constant 0 : i32
    %dma_wait3A_120 = tpu.memref_slice %arg4[%mul3A_2, %dma_wait3A_118, %dma_wait3A_119] : memref<16384x50x64xf32, #tpu.memory_space<hbm>> -> memref<8x50x64xf32, #tpu.memory_space<hbm>>
    %dma_wait3A_121 = arith.constant 0 : i32
    %dma_wait3A_122 = arith.constant 0 : i32
    %dma_wait3A_123 = arith.constant 0 : i32
    %dma_wait3A_124 = tpu.memref_slice %arg6[%dma_wait3A, %dma_wait3A_121, %dma_wait3A_122, %dma_wait3A_123] : memref<2x8x50x64xf32, #tpu.memory_space<vmem>> -> memref<1x8x50x64xf32, #tpu.memory_space<vmem>>
    %dma_wait3A_125 = tpu.memref_squeeze %dma_wait3A_124 : memref<1x8x50x64xf32, #tpu.memory_space<vmem>> -> memref<8x50x64xf32, #tpu.memory_space<vmem>>
    tpu.wait_dma2 semaphore(%arg9 : memref<!tpu.dma_semaphore, #tpu.memory_space<semaphore_mem>>) src(%dma_wait3A_125 : memref<8x50x64xf32, #tpu.memory_space<vmem>>) dst(%dma_wait3A_120 : memref<8x50x64xf32, #tpu.memory_space<hbm>>)
    %dma_wait3A_126 = arith.constant 1 : i32
    %dma_wait3A_127 = arith.constant 0 : i32
    %dma_wait3A_128 = arith.constant 0 : i32
    %dma_wait3A_129 = arith.constant 0 : i32
    %dma_wait3A_130 = tpu.memref_slice %arg6[%dma_wait3A_126, %dma_wait3A_127, %dma_wait3A_128, %dma_wait3A_129] : memref<2x8x50x64xf32, #tpu.memory_space<vmem>> -> memref<1x8x50x64xf32, #tpu.memory_space<vmem>>
    %dma_wait3A_131 = tpu.memref_squeeze %dma_wait3A_130 : memref<1x8x50x64xf32, #tpu.memory_space<vmem>> -> memref<8x50x64xf32, #tpu.memory_space<vmem>>
    %dma_wait3A_132 = arith.constant 0 : i32
    %dma_wait3A_133 = arith.constant 0 : i32
    %dma_wait3A_134 = tpu.memref_slice %arg4[%mul3A_2, %dma_wait3A_132, %dma_wait3A_133] : memref<16384x50x64xf32, #tpu.memory_space<hbm>> -> memref<8x50x64xf32, #tpu.memory_space<hbm>>
    %dma_wait3A_135 = arith.constant 0 : i32
    %dma_wait3A_136 = arith.constant 0 : i32
    %dma_wait3A_137 = tpu.memref_slice %arg4[%mul3A_2, %dma_wait3A_135, %dma_wait3A_136] : memref<16384x50x64xf32, #tpu.memory_space<hbm>> -> memref<8x50x64xf32, #tpu.memory_space<hbm>>
    %dma_wait3A_138 = arith.constant 0 : i32
    %dma_wait3A_139 = arith.constant 0 : i32
    %dma_wait3A_140 = arith.constant 0 : i32
    %dma_wait3A_141 = tpu.memref_slice %arg6[%dma_wait3A_126, %dma_wait3A_138, %dma_wait3A_139, %dma_wait3A_140] : memref<2x8x50x64xf32, #tpu.memory_space<vmem>> -> memref<1x8x50x64xf32, #tpu.memory_space<vmem>>
    %dma_wait3A_142 = tpu.memref_squeeze %dma_wait3A_141 : memref<1x8x50x64xf32, #tpu.memory_space<vmem>> -> memref<8x50x64xf32, #tpu.memory_space<vmem>>
    tpu.wait_dma2 semaphore(%arg10 : memref<!tpu.dma_semaphore, #tpu.memory_space<semaphore_mem>>) src(%dma_wait3A_142 : memref<8x50x64xf32, #tpu.memory_space<vmem>>) dst(%dma_wait3A_137 : memref<8x50x64xf32, #tpu.memory_space<hbm>>)
    return
  }
}

</mosaic_0001>

<sc_bundles>
// kernel: kernel.3.cloned.1.call-start
scs
__scs_entry_jumppad:
0x0: {  	(pc) =	sbr.rel $0x88, $3  }
0x1: {  	(tag) =	ssettag $0x0;
	lr =	simm.s32 $0x1  }
0x2: {  	[smem:$0x3F9F] =	sst lr;
	_ =	strace $0xD0000000  }
0x3: {  	_ = 	snop  }
0x4: {  	_ = 	snop  }
0x5: {  	_ = 	snop  }
0x6: {  	_ = 	snop  }
0x7: {  	_ = 	snop  }
__scs_overlays_trampoline_lowered:
0x8: {  	[smem:$0x3FAE] =	sst s0  }
0x9: {  	[smem:$0x3FAF] =	sst s1  }
0xa: {  	[smem:$0x3FB0] =	sst s2  }
0xb: {  	[smem:$0x3FB1] =	sst s3  }
0xc: {  	[smem:$0x3FB2] =	sst s4  }
0xd: {  	[smem:$0x3FB3] =	sst s5  }
0xe: {  	[smem:$0x3FB4] =	sst s6  }
0xf: {  	[smem:$0x3FB5] =	sst s7  }
0x10: {  	[smem:$0x3FB6] =	sst s8  }
0x11: {  	[smem:$0x3FB7] =	sst s9;
	s0 =	simm.s32 @!p0 $0x0  }
0x12: {  	s1 =	sld [smem:$0x3F9D];
	s0 =	simm.s32 @p0 $0x1  }
0x13: {  	[smem:$0x3FB8] =	sst s0;
	s0 =	simm.s32 @!p1 $0x0  }
0x14: {  	s2 =	sld [smem:$0x3F9C];
	s0 =	simm.s32 @p1 $0x1  }
0x15: {  	[smem:$0x3FB9] =	sst s0;
	s0 =	simm.s32 @!p2 $0x0  }
0x16: {  	s3 =	sld [smem:$0x3FDB];
	s0 =	simm.s32 @p2 $0x1  }
0x17: {  	s4 =	simm.s32 $0x1BF5;
	[smem:$0x3FBB] =	sst s0  }
0x18: {  	s0 =	sld [smem:$0x3F9E];
	_ =	swait.ge [sflag:s4], $0x0  }
0x19: {  	s7 =	sld [smem:$0x3F9F]  }
0x1a: {  	s8 =	sadd.s32 $0xFFFFE003, lr  }
0x1b: {  	s9 =	sadd.s32 $0xFFFFFEF7, lr;
	s5 =	simm.s32 $0xFFFFFFFF;
	p2 =	slt.u32 s8, $0xFFFFF086  }
0x1c: {  	p1 =	slt.u32 s9, $0xF7A;
	s5 =	simm.s32 @!p2 $0x0  }
0x1d: {  	s5 =	simm.s32 @p1 $0x1;
	p0 =	seq.s32 s7, s2  }
0x1e: {  	s7 =	smul.u32 @!p0 $0xF7A, s2;
	p2 =	seq.s32 @!p0 s5, $0x0  }
0x1f: {  	s9 =	smul.u32 $0xF7A, s1;
	s8 =	simm.s32 @!p0 $0x1BF5;
	p2 =	por !p2, p0  }
0x20: {  	[sflag:s8] =	ssyncset.s32 @!p0 $0xFFFFF086;
	s6 =	sadd.s32 @!p0 s3, s7;
	s7 =	simm.s32 @!p0 $0x108  }
0x21: {  	s3 =	sadd.s32 s3, s9;
	s6 =	sadd.s32 @!p0 $0x88, s6;
	s7 =	simm.s32 @p2 $0x1082  }
0x22: {  	[simem:s7], [sflag:s8] =	dma.local @!p0 [hbm:s6], $0xF7A  }
0x23: {  	s9 =	sor.u32 $0xD0000000, s2;
	s6 =	simm.s32 $0x108;
	_ =	swait.ge @!p0 [sflag:s8], $0x0  }
0x24: {  	s3 =	sadd.s32 $0x88, s3;
	s6 =	simm.s32 @!p1 $0x1082;
	[sflag:s4] =	ssyncset.s32 $0xFFFFF086  }
0x25: {  	[simem:s6], [sflag:s4] =	dma.local [hbm:s3], $0xF7A  }
0x26: {  	[smem:$0x3F9F] =	sst s1;
	(tag) =	ssettag s2;
	_ =	strace s9  }
0x27: {  	s1 =	sld [smem:$0x3FAF]  }
0x28: {  	s2 =	sld [smem:$0x3FB0]  }
0x29: {  	s4 =	sld [smem:$0x3FB2]  }
0x2a: {  	p0 =	seq.s32 s5, $0x0;
	s5 =	sld [smem:$0x3FB3]  }
0x2b: {  	s6 =	sld [smem:$0x3FB4]  }
0x2c: {  	s7 =	sld [smem:$0x3FB5]  }
0x2d: {  	s3 =	simm.s32 $0x108;
	s8 =	sld [smem:$0x3FB6]  }
0x2e: {  	s3 =	simm.s32 @!p0 $0x1082;
	s9 =	sld [smem:$0x3FB7]  }
0x2f: {  	lr =	sadd.s32 s0, s3;
	s0 =	sld [smem:$0x3FAE]  }
0x30: {  	s3 =	sld [smem:$0x3FB1]  }
0x31: {  	[smem:$0x3FBA] =	sst s10  }
0x32: {  	s10 =	sld [smem:$0x3FB8];
	_ =	sdelay $0x3  }
0x33: {  	p0 =	seq.s32 s10, $0x1;
	s10 =	sld [smem:$0x3FBA];
	_ =	sdelay $0x3  }
0x34: {  	[smem:$0x3FBA] =	sst s10  }
0x35: {  	s10 =	sld [smem:$0x3FB9];
	_ =	sdelay $0x3  }
0x36: {  	p1 =	seq.s32 s10, $0x1;
	s10 =	sld [smem:$0x3FBA];
	_ =	sdelay $0x3  }
0x37: {  	[smem:$0x3FBA] =	sst s10  }
0x38: {  	s10 =	sld [smem:$0x3FBB]  }
0x39: {  	_ = 	snop;
	(pc) =	sbr.ind lr, $3  }
0x3a: {  	_ = 	snop  }
0x3b: {  	_ = 	snop  }
0x3c: {  	p2 =	seq.s32 s10, $0x1;
	s10 =	sld [smem:$0x3FBA]  }
0x3d: {  	_ =	shalt  }
0x3e: {  	_ =	shalt  }
0x3f: {  	_ =	shalt  }
0x40: {  	_ =	shalt  }
0x41: {  	_ =	shalt  }
0x42: {  	_ =	shalt  }
0x43: {  	_ =	shalt  }
0x44: {  	_ =	shalt  }
0x45: {  	_ =	shalt  }
0x46: {  	_ =	shalt  }
0x47: {  	_ =	shalt  }
0x48: {  	_ =	shalt  }
0x49: {  	_ =	shalt  }
0x4a: {  	_ =	shalt  }
0x4b: {  	_ =	shalt  }
0x4c: {  	_ =	shalt  }
0x4d: {  	_ =	shalt  }
0x4e: {  	_ =	shalt  }
0x4f: {  	_ =	shalt  }
0x50: {  	_ =	shalt  }
0x51: {  	_ =	shalt  }
0x52: {  	_ =	shalt  }
0x53: {  	_ =	shalt  }
0x54: {  	_ =	shalt  }
0x55: {  	_ =	shalt  }
0x56: {  	_ =	shalt  }
0x57: {  	_ =	shalt  }
0x58: {  	_ =	shalt  }
0x59: {  	_ =	shalt  }
0x5a: {  	_ =	shalt  }
0x5b: {  	_ =	shalt  }
0x5c: {  	_ =	shalt  }
0x5d: {  	_ =	shalt  }
0x5e: {  	_ =	shalt  }
0x5f: {  	_ =	shalt  }
0x60: {  	_ =	shalt  }
0x61: {  	_ =	shalt  }
0x62: {  	_ =	shalt  }
0x63: {  	_ =	shalt  }
0x64: {  	_ =	shalt  }
0x65: {  	_ =	shalt  }
0x66: {  	_ =	shalt  }
0x67: {  	_ =	shalt  }
0x68: {  	_ =	shalt  }
0x69: {  	_ =	shalt  }
0x6a: {  	_ =	shalt  }
0x6b: {  	_ =	shalt  }
0x6c: {  	_ =	shalt  }
0x6d: {  	_ =	shalt  }
0x6e: {  	_ =	shalt  }
0x6f: {  	_ =	shalt  }
0x70: {  	_ =	shalt  }
0x71: {  	_ =	shalt  }
0x72: {  	_ =	shalt  }
0x73: {  	_ =	shalt  }
0x74: {  	_ =	shalt  }
0x75: {  	_ =	shalt  }
0x76: {  	_ =	shalt  }
0x77: {  	_ =	shalt  }
0x78: {  	_ =	shalt  }
0x79: {  	_ =	shalt  }
0x7a: {  	_ =	shalt  }
0x7b: {  	_ =	shalt  }
0x7c: {  	_ =	shalt  }
0x7d: {  	_ =	shalt  }
0x7e: {  	_ =	shalt  }
0x7f: {  	_ =	shalt  }
0x80: {  	_ =	shalt  }
0x81: {  	_ =	shalt  }
0x82: {  	_ =	shalt  }
0x83: {  	_ =	shalt  }
0x84: {  	_ =	shalt  }
0x85: {  	_ =	shalt  }
0x86: {  	_ =	shalt  }
0x87: {  	_ =	shalt  }
.Lfunc_end0:
.L_simem_size_0:
called_computation.1_lowered:
.L_overlay_start_0:
0x88: {  	s2 =	sld [smem:$0x3FD9]  }
0x89: {  	s3 =	sld [smem:$0x3FFE];
	_ =	sdelay $0x1  }
0x8a: {  	s1 =	srdreg.scid  }
0x8b: {  	s0 =	sand.u32 $0x1, s1  }
0x8c: {  	s17 =	sshll.u32 s0, $0xA;
	s2 =	sadd.s32 s3, s2  }
0x8d: {  	s2 =	sadd.s32 s2, s17  }
0x8e: {  	[smem:$0x3FC6] =	sst s2  }
0x8f: {  	_ = 	snop  }
0x90: {  	s2 =	sld [smem:$0x3FD0];
	(tm) =	ssettm $0x1  }
0x91: {  	s18 =	sld [smem:$0x3FFB];
	_ =	sdelay $0x3  }
0x92: {  	_ =	strace s18  }
0x93: {  	s3 =	sld [smem:$0x3FFC];
	_ =	sdelay $0x3  }
0x94: {  	_ =	strace s3  }
0x95: {  	s3 =	sld [smem:$0x3FFD];
	_ =	sdelay $0x3  }
0x96: {  	_ =	strace s3  }
0x97: {  	_ =	strace $0x8FFFFFFF  }
0x98: {  	s19 =	sld [smem:$0x3FDB];
	_ =	sdelay $0x1  }
0x99: {  	s4 =	simm.s32 $_scs_section_size  }
0x9a: {  	s5 =	simm.s32 $_size__tile_overlayer_lowered;
	s6 =	simm.s32 $_tile_overlayer_lowered  }
0x9b: {  	s22 =	simm.s32 $0x1BFF;
	s21 =	sshll.u32 s6, $0x1;
	s3 =	sadd.s32 s4, s19  }
0x9c: {  	s7 =	simm.s32 $0x0;
	s20 =	sshll.u32 s5, $0x1;
	s5 =	sadd.s32 s21, s3  }
0x9d: {  	[timem:s7], [sflag:s22] =	dma.local [hbm:s5], s20  }
0x9e: {  	_ =	swait.ge [sflag:s22], s20  }
0x9f: {  	s4 =	ssub.s32 $0x0, s20;
	[sflag:s22] =	ssyncset.done $0x0  }
0xa0: {  	[sflag:s22] =	ssyncadd.s32 s4;
	_ =	sdelay $0x1  }
0xa1: {  	s23 =	simm.s32 $0x1B8B  }
0xa2: {  	_ =	swait.ge [sflag:s23], $0x1  }
0xa3: {  	[sflag:s23] =	ssyncset.done $0x0  }
0xa4: {  	s25 =	simm.s32 $0x1B8E;
	s24 =	sld [smem:$0x3FFE];
	[sflag:s23] =	ssyncadd.s32 $0xFFFFFFFF  }
0xa5: {  	s26 =	simm.s32 $execute0_lowered;
	[smem:$0x3FD2] =	sst s25  }
0xa6: {  	s5 =	sshll.u32 s26, $0x1;
	_ =	strace $0x80000046;
	[dreg:$0x1] =	wrdreg $0xFFFFFFFF  }
0xa7: {  	s28 =	simm.s32 $_size_execute0_lowered;
	s3 =	sadd.s32 s3, s5;
	[dreg:$0x0] =	wrdreg $0x0  }
0xa8: {  	s5 =	sshll.u32 s28, $0x1;
	[dreg:$0x2] =	wrdreg s3  }
0xa9: {  	[dreg:$0x3] =	wrdreg s5  }
0xaa: {  	[dreg:$0x4] =	wrdreg $0xC0  }
0xab: {  	_ =	task [dreg:s7], $0x5FFFF  }
0xac: {  	[dreg:$0x1] =	wrdreg $0xFFFFFFFF  }
0xad: {  	[dreg:$0x0] =	wrdreg $0x60  }
0xae: {  	[dreg:$0x2] =	wrdreg s24  }
0xaf: {  	[dreg:$0x3] =	wrdreg s2  }
0xb0: {  	[dreg:$0x4] =	wrdreg $0x9  }
0xb1: {  	_ =	task.clear_ibuf [dreg:s7], $0x5FFFF;
	_ =	strace $0x90000046  }
0xb2: {  	s29 =	simm.s32 $0x9;
	_ =	strace $0x80000048  }
0xb3: {  	_ =	swait.ge [sflag:s29], $0x1  }
0xb4: {  	[sflag:s29] =	ssyncadd.s32 $0xFFFFFFFF  }
0xb5: {  	_ =	strace $0x90000048  }
0xb6: {  	_ =	sfence  }
0xb7: {  	s30 =	sld [smem:$0x0];
	_ =	sdelay $0x2  }
0xb8: {  	s31 =	sshll.u32 s1, $0xD;
	s1 =	sshrl.u32 s1, $0x2  }
0xb9: {  	s3 =	sand.u32 $0x4000, s31;
	s1 =	sadd.s32 s1, s30  }
0xba: {  	s0 =	sor.u32 s3, s0;
	s1 =	sshll.u32 s1, $0x11  }
0xbb: {  	s0 =	sor.u32 s1, s0  }
0xbc: {  	s0 =	sadd.s32 $0x8F2B, s0  }
0xbd: {  	[sflag:s0] =	ssyncadd.remote.s32 $0x1  }
0xbe: {  	_ =	sfence.sel $0xFFFF  }
0xbf: {  	[dreg:$0x0] =	wrdreg $0xFFFFFFFF;
	(pc) =	sbr.abs _section_cstart, $3  }
0xc0: {  	[dreg:$0x1] =	wrdreg $0xFFFFFFFF  }
0xc1: {  	_ =	task.clear_ibuf [dreg:s7], $0x2FFFF;
	_ =	strace $0x9FFFFFFF  }
0xc2: {  	(tm) =	ssettm $0x7FFFFFFF  }
0xc3: {  	_ =	shalt  }
tec
execute0_lowered:
.L_overlay_start_1:
0x0: {  	(tag) =	ssettag $0x1  }
0x1: {  	s0 =	rddreg [dreg:$0x0]  }
0x2: {  	s1 =	rddreg [dreg:$0x1];
	s2 =	srdreg.scid  }
0x3: {  	s7 =	stileid.u32;
	s9 =	simm.s32 $0x7000;
	s21 =	simm.s32 $0xE080  }
0x4: {  	s22 =	simm.s32 $0xED00;
	s23 =	simm.s32 $0xF980;
	s24 =	simm.s32 $0x10600  }
0x5: {  	s25 =	simm.s32 $0x11280;
	s26 =	simm.s32 $0x11F00;
	s31 =	simm.s32 $0x12B80  }
0x6: {  	s28 =	simm.s32 $0x3;
	s4 =	sand.u32 $0x1, s2;
	s2 =	simm.s32 $0x0  }
0x7: {  	s29 =	simm.s32 $0x4;
	s30 =	simm.s32 $0x0;
	[smem:$0x7FF] =	sst s2  }
0x8: {  	s3 =	sshll.u32 s7, $0xA;
	_ =	strace $0x80000047;
	[dreg:$0x3] =	wrdreg s21  }
0x9: {  	s7 =	smul.u32 $0x64000, s7;
	s5 =	sshll.u32 s4, $0x9;
	[dreg:$0x4] =	wrdreg s22  }
0xa: {  	s6 =	ssub.s32 $0x2, s4;
	s8 =	smul.u32 $0x32000, s4;
	[dreg:$0x5] =	wrdreg s23  }
0xb: {  	s3 =	sor.u32 s5, s3;
	s19 =	sshrl.u32 s6, $0x1;
	[dreg:$0x6] =	wrdreg s24  }
0xc: {  	s20 =	sadd.s32 s7, s1;
	s7 =	simm.s32 $0x5;
	[dreg:$0x7] =	wrdreg s25  }
0xd: {  	s22 =	simm.s32 $0x188;
	s23 =	simm.s32 $0xC780;
	[dreg:$0x8] =	wrdreg s26  }
0xe: {  	s24 =	simm.s32 $0xD400;
	[dreg:$0x9] =	wrdreg s31;
	s5 =	smul.u32 $0x7, s3  }
0xf: {  	s25 =	simm.s32 $0x1;
	s26 =	simm.s32 $0x2;
	s3 =	sadd.s32 $0xF42E00, s0  }
0x10: {  	s0 =	sadd.s32 s5, s0;
	s5 =	ssub.s32 s6, s19;
	s6 =	sadd.s32 s8, s20  }
0x11: {  	s8 =	simm.s32 $0x32;
	s4 =	sadd.s32 $0xA00, s0;
	s5 =	smax.u32 s5, $0x1  }
.LBB2_1:
0x12: {  	[tilespmem:s2], [sflag:$0x5] =	stream.linear.gather [hbm4b:s4+s2], $0x7000, $0x38;
	[tilespmem:$0x13800] =	vst v63  }
0x13: {  	_ =	swait.ge [sflag:s7], $0x7000  }
0x14: {  	[sflag:s7] =	ssyncset.done $0x0  }
0x15: {  	[sflag:s7] =	ssyncadd.s32 $0xFFFF9000  }
0x16: {  	[tilespmem:s9], [sflag:$0x1] =	stream.indirect.gather [hbm4b:s3+s8], $0x40, s2, s8, $0xb8;
	[tilespmem:$0x13800] =	vst v63  }
0x17: {  	s0 =	simm.s32 $0x38;
	s1 =	simm.s32 $0x7C80  }
0x18: {  	[tilespmem:s1], [sflag:$0x1] =	stream.indirect.gather [hbm4b:s3+s8], $0x40, s0, s8, $0xb8;
	[tilespmem:$0x13800] =	vst v63  }
0x19: {  	s10 =	simm.s32 $0x8900;
	s1 =	simm.s32 $0x70  }
0x1a: {  	[tilespmem:s10], [sflag:$0x1] =	stream.indirect.gather [hbm4b:s3+s8], $0x40, s1, s8, $0xb8;
	[tilespmem:$0x13800] =	vst v63  }
0x1b: {  	s11 =	simm.s32 $0xA8;
	s12 =	simm.s32 $0x9580  }
0x1c: {  	[tilespmem:s12], [sflag:$0x1] =	stream.indirect.gather [hbm4b:s3+s8], $0x40, s11, s8, $0xb8;
	[tilespmem:$0x13800] =	vst v63  }
0x1d: {  	s13 =	simm.s32 $0xE0;
	s14 =	simm.s32 $0xA200  }
0x1e: {  	[tilespmem:s14], [sflag:$0x1] =	stream.indirect.gather [hbm4b:s3+s8], $0x40, s13, s8, $0xb8;
	[tilespmem:$0x13800] =	vst v63  }
0x1f: {  	s15 =	simm.s32 $0x118;
	s16 =	simm.s32 $0xAE80  }
0x20: {  	[tilespmem:s16], [sflag:$0x1] =	stream.indirect.gather [hbm4b:s3+s8], $0x40, s15, s8, $0xb8;
	[tilespmem:$0x13800] =	vst v63  }
0x21: {  	s17 =	simm.s32 $0x150;
	s18 =	simm.s32 $0xBB00;
	p0 =	por $0x1, $0x1  }
0x22: {  	[tilespmem:s18], [sflag:$0x1] =	stream.indirect.gather [hbm4b:s3+s8], $0x40, s17, s8, $0xb8;
	[tilespmem:$0x13800] =	vst v63  }
0x23: {  	s0 =	simm.s32 @!p0 $0x4  }
0x24: {  	[tilespmem:s23], [sflag:$0x1] =	stream.indirect.gather [hbm4b:s3+s8], $0x40, s22, s8, $0xb8;
	[tilespmem:$0x13800] =	vst v63  }
0x25: {  	_ =	swait.ge @!p0 [sflag:s0], $0x6400  }
0x26: {  	[sflag:s0] =	ssyncset.done @!p0 $0x0  }
0x27: {  	s19 =	simm.s32 $0x1C0;
	[sflag:s0] =	ssyncadd.s32 @!p0 $0xFFFF9C00  }
0x28: {  	[tilespmem:s24], [sflag:$0x2] =	stream.indirect.gather [hbm4b:s3+s8], $0x40, s19, s8, $0xb8;
	[tilespmem:$0x13800] =	vst v63  }
0x29: {  	s20 =	simm.s32 $0x1F8;
	s10 =	rddreg [dreg:$0x3]  }
0x2a: {  	[tilespmem:s10], [sflag:$0x2] =	stream.indirect.gather [hbm4b:s3+s8], $0x40, s20, s8, $0xb8;
	[tilespmem:$0x13800] =	vst v63  }
0x2b: {  	s11 =	simm.s32 $0x230;
	s21 =	rddreg [dreg:$0x4]  }
0x2c: {  	[tilespmem:s21], [sflag:$0x2] =	stream.indirect.gather [hbm4b:s3+s8], $0x40, s11, s8, $0xb8;
	[tilespmem:$0x13800] =	vst v63  }
0x2d: {  	s13 =	simm.s32 $0x268;
	s12 =	rddreg [dreg:$0x5]  }
0x2e: {  	[tilespmem:s12], [sflag:$0x2] =	stream.indirect.gather [hbm4b:s3+s8], $0x40, s13, s8, $0xb8;
	[tilespmem:$0x13800] =	vst v63  }
0x2f: {  	s15 =	simm.s32 $0x2A0;
	s14 =	rddreg [dreg:$0x6]  }
0x30: {  	[tilespmem:s14], [sflag:$0x2] =	stream.indirect.gather [hbm4b:s3+s8], $0x40, s15, s8, $0xb8;
	[tilespmem:$0x13800] =	vst v63  }
0x31: {  	s17 =	simm.s32 $0x2D8;
	s16 =	rddreg [dreg:$0x7]  }
0x32: {  	[tilespmem:s16], [sflag:$0x2] =	stream.indirect.gather [hbm4b:s3+s8], $0x40, s17, s8, $0xb8;
	[tilespmem:$0x13800] =	vst v63  }
0x33: {  	s18 =	rddreg [dreg:$0x8];
	s19 =	simm.s32 $0x310  }
0x34: {  	[tilespmem:s18], [sflag:$0x2] =	stream.indirect.gather [hbm4b:s3+s8], $0x40, s19, s8, $0xb8;
	[tilespmem:$0x13800] =	vst v63  }
0x35: {  	s20 =	rddreg [dreg:$0x9];
	s21 =	simm.s32 $0x348  }
0x36: {  	[tilespmem:s20], [sflag:$0x2] =	stream.indirect.gather [hbm4b:s3+s8], $0x40, s21, s8, $0xb8;
	[tilespmem:$0x13800] =	vst v63  }
0x37: {  	_ =	swait.ge [sflag:s25], $0xC80  }
0x38: {  	[sflag:s25] =	ssyncset.done $0x0  }
0x39: {  	[sflag:s25] =	ssyncadd.s32 $0xFFFFF380  }
0x3a: {  	_ =	swait.ge [sflag:s25], $0xC80  }
0x3b: {  	[sflag:s25] =	ssyncset.done $0x0  }
0x3c: {  	[sflag:s25] =	ssyncadd.s32 $0xFFFFF380  }
0x3d: {  	_ =	swait.ge [sflag:s25], $0xC80  }
0x3e: {  	[sflag:s25] =	ssyncset.done $0x0  }
0x3f: {  	[sflag:s25] =	ssyncadd.s32 $0xFFFFF380  }
0x40: {  	_ =	swait.ge [sflag:s25], $0xC80  }
0x41: {  	[sflag:s25] =	ssyncset.done $0x0  }
0x42: {  	[sflag:s25] =	ssyncadd.s32 $0xFFFFF380  }
0x43: {  	_ =	swait.ge [sflag:s25], $0xC80  }
0x44: {  	[sflag:s25] =	ssyncset.done $0x0  }
0x45: {  	[sflag:s25] =	ssyncadd.s32 $0xFFFFF380  }
0x46: {  	_ =	swait.ge [sflag:s25], $0xC80  }
0x47: {  	[sflag:s25] =	ssyncset.done $0x0  }
0x48: {  	[sflag:s25] =	ssyncadd.s32 $0xFFFFF380  }
0x49: {  	_ =	swait.ge [sflag:s25], $0xC80  }
0x4a: {  	[sflag:s25] =	ssyncset.done $0x0  }
0x4b: {  	[sflag:s25] =	ssyncadd.s32 $0xFFFFF380  }
0x4c: {  	_ =	swait.ge [sflag:s25], $0xC80  }
0x4d: {  	p0 =	por $0x0, $0x0;
	[sflag:s25] =	ssyncset.done $0x0  }
0x4e: {  	s0 =	simm.s32 @!p0 $0x3;
	[sflag:s25] =	ssyncadd.s32 $0xFFFFF380  }
0x4f: {  	[hbm4b:s6+s2] =	stream.linear.scatter [tilespmem:s9], [sflag:$0x3], $0x6400, $0x38;
	[tilespmem:$0x13800] =	vst v63  }
0x50: {  	_ =	swait.ge @!p0 [sflag:s0], $0x6400  }
0x51: {  	s1 =	simm.s32 @!p0 $0x380;
	[sflag:s0] =	ssyncset.done @!p0 $0x0  }
0x52: {  	s10 =	simm.s32 @!p0 $0x32;
	s11 =	simm.s32 @!p0 $0x7000;
	[sflag:s0] =	ssyncadd.s32 @!p0 $0xFFFF9C00  }
0x53: {  	[tilespmem:s11], [sflag:$0x1] =	stream.indirect.gather @!p0 [hbm4b:s3+s10], $0x40, s1, s10, $0xb8;
	[tilespmem:$0x13800] =	vst v63  }
0x54: {  	s0 =	simm.s32 @!p0 $0x3B8;
	s1 =	simm.s32 @!p0 $0x7C80  }
0x55: {  	[tilespmem:s1], [sflag:$0x1] =	stream.indirect.gather @!p0 [hbm4b:s3+s10], $0x40, s0, s10, $0xb8;
	[tilespmem:$0x13800] =	vst v63  }
0x56: {  	s0 =	simm.s32 @!p0 $0x3F0;
	s1 =	simm.s32 @!p0 $0x8900  }
0x57: {  	[tilespmem:s1], [sflag:$0x1] =	stream.indirect.gather @!p0 [hbm4b:s3+s10], $0x40, s0, s10, $0xb8;
	[tilespmem:$0x13800] =	vst v63  }
0x58: {  	s0 =	simm.s32 @!p0 $0x428;
	s1 =	simm.s32 @!p0 $0x9580  }
0x59: {  	[tilespmem:s1], [sflag:$0x1] =	stream.indirect.gather @!p0 [hbm4b:s3+s10], $0x40, s0, s10, $0xb8;
	[tilespmem:$0x13800] =	vst v63  }
0x5a: {  	s0 =	simm.s32 @!p0 $0x460;
	s1 =	simm.s32 @!p0 $0xA200  }
0x5b: {  	[tilespmem:s1], [sflag:$0x1] =	stream.indirect.gather @!p0 [hbm4b:s3+s10], $0x40, s0, s10, $0xb8;
	[tilespmem:$0x13800] =	vst v63  }
0x5c: {  	s0 =	simm.s32 @!p0 $0x498;
	s1 =	simm.s32 @!p0 $0xAE80  }
0x5d: {  	[tilespmem:s1], [sflag:$0x1] =	stream.indirect.gather @!p0 [hbm4b:s3+s10], $0x40, s0, s10, $0xb8;
	[tilespmem:$0x13800] =	vst v63  }
0x5e: {  	s0 =	simm.s32 @!p0 $0x4D0;
	s1 =	simm.s32 @!p0 $0xBB00  }
0x5f: {  	[tilespmem:s1], [sflag:$0x1] =	stream.indirect.gather @!p0 [hbm4b:s3+s10], $0x40, s0, s10, $0xb8;
	[tilespmem:$0x13800] =	vst v63  }
0x60: {  	s0 =	simm.s32 @!p0 $0x508;
	s1 =	simm.s32 @!p0 $0xC780  }
0x61: {  	[tilespmem:s1], [sflag:$0x1] =	stream.indirect.gather @!p0 [hbm4b:s3+s10], $0x40, s0, s10, $0xb8;
	[tilespmem:$0x13800] =	vst v63  }
0x62: {  	_ =	swait.ge [sflag:s26], $0xC80  }
0x63: {  	[sflag:s26] =	ssyncset.done $0x0  }
0x64: {  	[sflag:s26] =	ssyncadd.s32 $0xFFFFF380  }
0x65: {  	_ =	swait.ge [sflag:s26], $0xC80  }
0x66: {  	[sflag:s26] =	ssyncset.done $0x0  }
0x67: {  	[sflag:s26] =	ssyncadd.s32 $0xFFFFF380  }
0x68: {  	_ =	swait.ge [sflag:s26], $0xC80  }
0x69: {  	[sflag:s26] =	ssyncset.done $0x0  }
0x6a: {  	[sflag:s26] =	ssyncadd.s32 $0xFFFFF380  }
0x6b: {  	_ =	swait.ge [sflag:s26], $0xC80  }
0x6c: {  	[sflag:s26] =	ssyncset.done $0x0  }
0x6d: {  	[sflag:s26] =	ssyncadd.s32 $0xFFFFF380  }
0x6e: {  	_ =	swait.ge [sflag:s26], $0xC80  }
0x6f: {  	[sflag:s26] =	ssyncset.done $0x0  }
0x70: {  	[sflag:s26] =	ssyncadd.s32 $0xFFFFF380  }
0x71: {  	_ =	swait.ge [sflag:s26], $0xC80  }
0x72: {  	[sflag:s26] =	ssyncset.done $0x0  }
0x73: {  	[sflag:s26] =	ssyncadd.s32 $0xFFFFF380  }
0x74: {  	p1 =	por $0x0, $0x0;
	_ =	swait.ge [sflag:s26], $0xC80  }
0x75: {  	s11 =	simm.s32 $0x1C00;
	s0 =	simm.s32 $0xE00;
	[sflag:s26] =	ssyncset.done $0x0  }
0x76: {  	s10 =	sadd.s32 $0xC80, s6;
	s1 =	sadd.s32 $0x1900, s6;
	[sflag:s26] =	ssyncadd.s32 $0xFFFFF380  }
0x77: {  	s31 =	sadd.s32 $0xC80, s1;
	s12 =	sadd.s32 $0x1900, s1;
	_ =	swait.ge [sflag:s26], $0xC80  }
.LBB2_2:
0x78: {  	[sflag:s26] =	ssyncset.done $0x0  }
0x79: {  	s14 =	simm.s32 @!p1 $0x4;
	[sflag:s26] =	ssyncadd.s32 $0xFFFFF380  }
0x7a: {  	[hbm4b:s10+s2] =	stream.linear.scatter [tilespmem:s24], [sflag:$0x4], $0x6400, $0x38;
	[tilespmem:$0x13800] =	vst v63  }
0x7b: {  	_ =	swait.ge @!p1 [sflag:s14], $0x6400  }
0x7c: {  	s16 =	sshra.s32 s0, $0x2;
	[sflag:s14] =	ssyncset.done @!p1 $0x0  }
0x7d: {  	s17 =	sadd.s32 $0x1C0, s16;
	[sflag:s14] =	ssyncadd.s32 @!p1 $0xFFFF9C00  }
0x7e: {  	[tilespmem:s24], [sflag:$0x2] =	stream.indirect.gather [hbm4b:s3+s8], $0x40, s17, s8, $0xb8;
	[tilespmem:$0x13800] =	vst v63  }
0x7f: {  	s18 =	rddreg [dreg:$0x3];
	s17 =	sadd.s32 $0x1F8, s16  }
0x80: {  	[tilespmem:s18], [sflag:$0x2] =	stream.indirect.gather [hbm4b:s3+s8], $0x40, s17, s8, $0xb8;
	[tilespmem:$0x13800] =	vst v63  }
0x81: {  	s20 =	sadd.s32 $0x230, s16;
	s19 =	rddreg [dreg:$0x4]  }
0x82: {  	[tilespmem:s19], [sflag:$0x2] =	stream.indirect.gather [hbm4b:s3+s8], $0x40, s20, s8, $0xb8;
	[tilespmem:$0x13800] =	vst v63  }
0x83: {  	s15 =	sadd.s32 $0xC80, s12;
	s21 =	rddreg [dreg:$0x5];
	s18 =	sadd.s32 $0x268, s16  }
0x84: {  	[tilespmem:s21], [sflag:$0x2] =	stream.indirect.gather [hbm4b:s3+s8], $0x40, s18, s8, $0xb8;
	[tilespmem:$0x13800] =	vst v63  }
0x85: {  	s10 =	smov.u32 s31;
	s19 =	rddreg [dreg:$0x6];
	s20 =	sadd.s32 $0x2A0, s16  }
0x86: {  	[tilespmem:s19], [sflag:$0x2] =	stream.indirect.gather [hbm4b:s3+s8], $0x40, s20, s8, $0xb8;
	[tilespmem:$0x13800] =	vst v63  }
0x87: {  	s31 =	smov.u32 s15;
	s15 =	sadd.s32 $0x2D8, s16;
	s21 =	rddreg [dreg:$0x7]  }
0x88: {  	[tilespmem:s21], [sflag:$0x2] =	stream.indirect.gather [hbm4b:s3+s8], $0x40, s15, s8, $0xb8;
	[tilespmem:$0x13800] =	vst v63  }
0x89: {  	s18 =	rddreg [dreg:$0x8];
	s19 =	sadd.s32 $0x310, s16  }
0x8a: {  	[tilespmem:s18], [sflag:$0x2] =	stream.indirect.gather [hbm4b:s3+s8], $0x40, s19, s8, $0xb8;
	[tilespmem:$0x13800] =	vst v63  }
0x8b: {  	s20 =	rddreg [dreg:$0x9];
	s21 =	sadd.s32 $0x348, s16  }
0x8c: {  	[tilespmem:s20], [sflag:$0x2] =	stream.indirect.gather [hbm4b:s3+s8], $0x40, s21, s8, $0xb8;
	[tilespmem:$0x13800] =	vst v63  }
0x8d: {  	_ =	swait.ge [sflag:s25], $0xC80  }
0x8e: {  	[sflag:s25] =	ssyncset.done $0x0  }
0x8f: {  	[sflag:s25] =	ssyncadd.s32 $0xFFFFF380  }
0x90: {  	_ =	swait.ge [sflag:s25], $0xC80  }
0x91: {  	[sflag:s25] =	ssyncset.done $0x0  }
0x92: {  	[sflag:s25] =	ssyncadd.s32 $0xFFFFF380  }
0x93: {  	_ =	swait.ge [sflag:s25], $0xC80  }
0x94: {  	[sflag:s25] =	ssyncset.done $0x0  }
0x95: {  	[sflag:s25] =	ssyncadd.s32 $0xFFFFF380  }
0x96: {  	_ =	swait.ge [sflag:s25], $0xC80  }
0x97: {  	[sflag:s25] =	ssyncset.done $0x0  }
0x98: {  	[sflag:s25] =	ssyncadd.s32 $0xFFFFF380  }
0x99: {  	_ =	swait.ge [sflag:s25], $0xC80  }
0x9a: {  	[sflag:s25] =	ssyncset.done $0x0  }
0x9b: {  	[sflag:s25] =	ssyncadd.s32 $0xFFFFF380  }
0x9c: {  	_ =	swait.ge [sflag:s25], $0xC80  }
0x9d: {  	[sflag:s25] =	ssyncset.done $0x0  }
0x9e: {  	[sflag:s25] =	ssyncadd.s32 $0xFFFFF380  }
0x9f: {  	_ =	swait.ge [sflag:s25], $0xC80  }
0xa0: {  	[sflag:s25] =	ssyncset.done $0x0  }
0xa1: {  	[sflag:s25] =	ssyncadd.s32 $0xFFFFF380  }
0xa2: {  	_ =	swait.ge [sflag:s25], $0xC80  }
0xa3: {  	p1 =	seq.s32 s0, $0x1B200;
	[sflag:s25] =	ssyncset.done $0x0  }
0xa4: {  	s14 =	simm.s32 @!p1 $0x3;
	[sflag:s25] =	ssyncadd.s32 $0xFFFFF380  }
0xa5: {  	[hbm4b:s1+s2] =	stream.linear.scatter [tilespmem:s9], [sflag:$0x3], $0x6400, $0x38;
	[tilespmem:$0x13800] =	vst v63  }
0xa6: {  	_ =	swait.ge @!p1 [sflag:s14], $0x6400  }
0xa7: {  	s0 =	sshra.s32 @!p1 s0, $0x2;
	s17 =	simm.s32 @!p1 $0x7000;
	[sflag:s14] =	ssyncset.done @!p1 $0x0  }
0xa8: {  	s16 =	simm.s32 @!p1 $0x32;
	s1 =	sadd.s32 @!p1 $0x380, s0;
	[sflag:s14] =	ssyncadd.s32 @!p1 $0xFFFF9C00  }
0xa9: {  	[tilespmem:s17], [sflag:$0x1] =	stream.indirect.gather @!p1 [hbm4b:s3+s16], $0x40, s1, s16, $0xb8;
	[tilespmem:$0x13800] =	vst v63  }
0xaa: {  	s15 =	sadd.s32 @!p1 $0x3B8, s0;
	s14 =	simm.s32 @!p1 $0x7C80  }
0xab: {  	[tilespmem:s14], [sflag:$0x1] =	stream.indirect.gather @!p1 [hbm4b:s3+s16], $0x40, s15, s16, $0xb8;
	[tilespmem:$0x13800] =	vst v63  }
0xac: {  	s13 =	smov.u32 s11;
	s18 =	sadd.s32 @!p1 $0x3F0, s0;
	s1 =	simm.s32 @!p1 $0x8900  }
0xad: {  	[tilespmem:s1], [sflag:$0x1] =	stream.indirect.gather @!p1 [hbm4b:s3+s16], $0x40, s18, s16, $0xb8;
	[tilespmem:$0x13800] =	vst v63  }
0xae: {  	s19 =	sadd.s32 @!p1 $0x460, s0;
	s17 =	sadd.s32 @!p1 $0x428, s0;
	s14 =	simm.s32 @!p1 $0x9580  }
0xaf: {  	[tilespmem:s14], [sflag:$0x1] =	stream.indirect.gather @!p1 [hbm4b:s3+s16], $0x40, s17, s16, $0xb8;
	[tilespmem:$0x13800] =	vst v63  }
0xb0: {  	s20 =	sadd.s32 @!p1 $0x4D0, s0;
	s21 =	sadd.s32 @!p1 $0x508, s0;
	s18 =	simm.s32 @!p1 $0xA200  }
0xb1: {  	[tilespmem:s18], [sflag:$0x1] =	stream.indirect.gather @!p1 [hbm4b:s3+s16], $0x40, s19, s16, $0xb8;
	[tilespmem:$0x13800] =	vst v63  }
0xb2: {  	s15 =	sadd.s32 @!p1 $0x498, s0;
	s0 =	smov.u32 s13;
	s13 =	simm.s32 @!p1 $0xAE80  }
0xb3: {  	[tilespmem:s13], [sflag:$0x1] =	stream.indirect.gather @!p1 [hbm4b:s3+s16], $0x40, s15, s16, $0xb8;
	[tilespmem:$0x13800] =	vst v63  }
0xb4: {  	s14 =	simm.s32 @!p1 $0xBB00  }
0xb5: {  	[tilespmem:s14], [sflag:$0x1] =	stream.indirect.gather @!p1 [hbm4b:s3+s16], $0x40, s20, s16, $0xb8;
	[tilespmem:$0x13800] =	vst v63  }
0xb6: {  	s13 =	simm.s32 @!p1 $0xC780  }
0xb7: {  	[tilespmem:s13], [sflag:$0x1] =	stream.indirect.gather @!p1 [hbm4b:s3+s16], $0x40, s21, s16, $0xb8;
	[tilespmem:$0x13800] =	vst v63  }
0xb8: {  	_ =	swait.ge [sflag:s26], $0xC80  }
0xb9: {  	[sflag:s26] =	ssyncset.done $0x0  }
0xba: {  	[sflag:s26] =	ssyncadd.s32 $0xFFFFF380  }
0xbb: {  	_ =	swait.ge [sflag:s26], $0xC80  }
0xbc: {  	[sflag:s26] =	ssyncset.done $0x0  }
0xbd: {  	[sflag:s26] =	ssyncadd.s32 $0xFFFFF380  }
0xbe: {  	_ =	swait.ge [sflag:s26], $0xC80  }
0xbf: {  	[sflag:s26] =	ssyncset.done $0x0  }
0xc0: {  	[sflag:s26] =	ssyncadd.s32 $0xFFFFF380  }
0xc1: {  	_ =	swait.ge [sflag:s26], $0xC80  }
0xc2: {  	[sflag:s26] =	ssyncset.done $0x0  }
0xc3: {  	[sflag:s26] =	ssyncadd.s32 $0xFFFFF380  }
0xc4: {  	_ =	swait.ge [sflag:s26], $0xC80  }
0xc5: {  	[sflag:s26] =	ssyncset.done $0x0  }
0xc6: {  	[sflag:s26] =	ssyncadd.s32 $0xFFFFF380  }
0xc7: {  	s11 =	sadd.s32 $0xE00, s11;
	_ =	swait.ge [sflag:s26], $0xC80  }
0xc8: {  	p0 =	sne.s32 s11, $0x1C000;
	[sflag:s26] =	ssyncset.done $0x0  }
.Ltmp0:
0xc9: {  	[sflag:s26] =	ssyncadd.s32 $0xFFFFF380;
	(pc) =	sbr.rel @p0 .LBB2_2-.Ltmp0, $4  }
0xca: {  	_ =	swait.ge [sflag:s26], $0xC80  }
0xcb: {  	[sflag:s26] =	ssyncset.done $0x0  }
0xcc: {  	s1 =	smov.u32 s12;
	[sflag:s26] =	ssyncadd.s32 $0xFFFFF380  }
0xcd: {  	s12 =	sadd.s32 $0x1900, s12;
	p1 =	seq.s32 s0, $0x0;
	_ =	swait.ge [sflag:s26], $0xC80  }
0xce: {  	[sflag:s26] =	ssyncset.done $0x0  }
0xcf: {  	s11 =	simm.s32 @!p1 $0x4;
	[sflag:s26] =	ssyncadd.s32 $0xFFFFF380  }
0xd0: {  	[hbm4b:s10+s2] =	stream.linear.scatter [tilespmem:s24], [sflag:$0x4], $0x6400, $0x38;
	[tilespmem:$0x13800] =	vst v63  }
0xd1: {  	_ =	swait.ge @!p1 [sflag:s11], $0x6400  }
0xd2: {  	s10 =	sshra.s32 s0, $0x2;
	[sflag:s11] =	ssyncset.done @!p1 $0x0  }
0xd3: {  	s12 =	sadd.s32 $0x1C0, s10;
	[sflag:s11] =	ssyncadd.s32 @!p1 $0xFFFF9C00  }
0xd4: {  	[tilespmem:s24], [sflag:$0x2] =	stream.indirect.gather [hbm4b:s3+s8], $0x40, s12, s8, $0xb8;
	[tilespmem:$0x13800] =	vst v63  }
0xd5: {  	s18 =	sadd.s32 $0x1F8, s10;
	s13 =	rddreg [dreg:$0x3]  }
0xd6: {  	[tilespmem:s13], [sflag:$0x2] =	stream.indirect.gather [hbm4b:s3+s8], $0x40, s18, s8, $0xb8;
	[tilespmem:$0x13800] =	vst v63  }
0xd7: {  	s20 =	sadd.s32 $0x230, s10;
	s19 =	rddreg [dreg:$0x4]  }
0xd8: {  	[tilespmem:s19], [sflag:$0x2] =	stream.indirect.gather [hbm4b:s3+s8], $0x40, s20, s8, $0xb8;
	[tilespmem:$0x13800] =	vst v63  }
0xd9: {  	s14 =	sadd.s32 $0x268, s10;
	s21 =	rddreg [dreg:$0x5]  }
0xda: {  	[tilespmem:s21], [sflag:$0x2] =	stream.indirect.gather [hbm4b:s3+s8], $0x40, s14, s8, $0xb8;
	[tilespmem:$0x13800] =	vst v63  }
0xdb: {  	s16 =	sadd.s32 $0x2A0, s10;
	s15 =	rddreg [dreg:$0x6]  }
0xdc: {  	[tilespmem:s15], [sflag:$0x2] =	stream.indirect.gather [hbm4b:s3+s8], $0x40, s16, s8, $0xb8;
	[tilespmem:$0x13800] =	vst v63  }
0xdd: {  	s17 =	rddreg [dreg:$0x7];
	s18 =	sadd.s32 $0x2D8, s10  }
0xde: {  	[tilespmem:s17], [sflag:$0x2] =	stream.indirect.gather [hbm4b:s3+s8], $0x40, s18, s8, $0xb8;
	[tilespmem:$0x13800] =	vst v63  }
0xdf: {  	s19 =	rddreg [dreg:$0x8];
	s20 =	sadd.s32 $0x310, s10  }
0xe0: {  	[tilespmem:s19], [sflag:$0x2] =	stream.indirect.gather [hbm4b:s3+s8], $0x40, s20, s8, $0xb8;
	[tilespmem:$0x13800] =	vst v63  }
0xe1: {  	s10 =	sadd.s32 $0x348, s10;
	s21 =	rddreg [dreg:$0x9]  }
0xe2: {  	[tilespmem:s21], [sflag:$0x2] =	stream.indirect.gather [hbm4b:s3+s8], $0x40, s10, s8, $0xb8;
	[tilespmem:$0x13800] =	vst v63  }
0xe3: {  	_ =	swait.ge [sflag:s25], $0xC80  }
0xe4: {  	[sflag:s25] =	ssyncset.done $0x0  }
0xe5: {  	[sflag:s25] =	ssyncadd.s32 $0xFFFFF380  }
0xe6: {  	_ =	swait.ge [sflag:s25], $0xC80  }
0xe7: {  	[sflag:s25] =	ssyncset.done $0x0  }
0xe8: {  	[sflag:s25] =	ssyncadd.s32 $0xFFFFF380  }
0xe9: {  	_ =	swait.ge [sflag:s25], $0xC80  }
0xea: {  	[sflag:s25] =	ssyncset.done $0x0  }
0xeb: {  	[sflag:s25] =	ssyncadd.s32 $0xFFFFF380  }
0xec: {  	_ =	swait.ge [sflag:s25], $0xC80  }
0xed: {  	[sflag:s25] =	ssyncset.done $0x0  }
0xee: {  	[sflag:s25] =	ssyncadd.s32 $0xFFFFF380  }
0xef: {  	_ =	swait.ge [sflag:s25], $0xC80  }
0xf0: {  	[sflag:s25] =	ssyncset.done $0x0  }
0xf1: {  	[sflag:s25] =	ssyncadd.s32 $0xFFFFF380  }
0xf2: {  	_ =	swait.ge [sflag:s25], $0xC80  }
0xf3: {  	[sflag:s25] =	ssyncset.done $0x0  }
0xf4: {  	[sflag:s25] =	ssyncadd.s32 $0xFFFFF380  }
0xf5: {  	_ =	swait.ge [sflag:s25], $0xC80  }
0xf6: {  	[sflag:s25] =	ssyncset.done $0x0  }
0xf7: {  	[sflag:s25] =	ssyncadd.s32 $0xFFFFF380  }
0xf8: {  	_ =	swait.ge [sflag:s25], $0xC80  }
0xf9: {  	p0 =	seq.s32 s0, $0x1B200;
	[sflag:s25] =	ssyncset.done $0x0  }
0xfa: {  	s10 =	simm.s32 @!p0 $0x3;
	[sflag:s25] =	ssyncadd.s32 $0xFFFFF380  }
0xfb: {  	[hbm4b:s1+s2] =	stream.linear.scatter [tilespmem:s9], [sflag:$0x3], $0x6400, $0x38;
	[tilespmem:$0x13800] =	vst v63  }
0xfc: {  	_ =	swait.ge @!p0 [sflag:s10], $0x6400  }
0xfd: {  	s0 =	sshra.s32 @!p0 s0, $0x2;
	s11 =	simm.s32 @!p0 $0x32;
	[sflag:s10] =	ssyncset.done @!p0 $0x0  }
0xfe: {  	s12 =	simm.s32 @!p0 $0x7000;
	s1 =	sadd.s32 @!p0 $0x380, s0;
	[sflag:s10] =	ssyncadd.s32 @!p0 $0xFFFF9C00  }
0xff: {  	[tilespmem:s12], [sflag:$0x1] =	stream.indirect.gather @!p0 [hbm4b:s3+s11], $0x40, s1, s11, $0xb8;
	[tilespmem:$0x13800] =	vst v63  }
0x100: {  	s10 =	simm.s32 @!p0 $0x7C80;
	s1 =	sadd.s32 @!p0 $0x3B8, s0  }
0x101: {  	[tilespmem:s10], [sflag:$0x1] =	stream.indirect.gather @!p0 [hbm4b:s3+s11], $0x40, s1, s11, $0xb8;
	[tilespmem:$0x13800] =	vst v63  }
0x102: {  	s1 =	sadd.s32 @!p0 $0x3F0, s0;
	s10 =	simm.s32 @!p0 $0x8900  }
0x103: {  	[tilespmem:s10], [sflag:$0x1] =	stream.indirect.gather @!p0 [hbm4b:s3+s11], $0x40, s1, s11, $0xb8;
	[tilespmem:$0x13800] =	vst v63  }
0x104: {  	s1 =	sadd.s32 @!p0 $0x428, s0;
	s10 =	simm.s32 @!p0 $0x9580  }
0x105: {  	[tilespmem:s10], [sflag:$0x1] =	stream.indirect.gather @!p0 [hbm4b:s3+s11], $0x40, s1, s11, $0xb8;
	[tilespmem:$0x13800] =	vst v63  }
0x106: {  	s1 =	sadd.s32 @!p0 $0x460, s0;
	s10 =	simm.s32 @!p0 $0xA200  }
0x107: {  	[tilespmem:s10], [sflag:$0x1] =	stream.indirect.gather @!p0 [hbm4b:s3+s11], $0x40, s1, s11, $0xb8;
	[tilespmem:$0x13800] =	vst v63  }
0x108: {  	s1 =	sadd.s32 @!p0 $0x498, s0;
	s10 =	simm.s32 @!p0 $0xAE80  }
0x109: {  	[tilespmem:s10], [sflag:$0x1] =	stream.indirect.gather @!p0 [hbm4b:s3+s11], $0x40, s1, s11, $0xb8;
	[tilespmem:$0x13800] =	vst v63  }
0x10a: {  	s1 =	sadd.s32 @!p0 $0x4D0, s0;
	s10 =	simm.s32 @!p0 $0xBB00  }
0x10b: {  	[tilespmem:s10], [sflag:$0x1] =	stream.indirect.gather @!p0 [hbm4b:s3+s11], $0x40, s1, s11, $0xb8;
	[tilespmem:$0x13800] =	vst v63  }
0x10c: {  	s0 =	sadd.s32 @!p0 $0x508, s0;
	s1 =	simm.s32 @!p0 $0xC780  }
0x10d: {  	[tilespmem:s1], [sflag:$0x1] =	stream.indirect.gather @!p0 [hbm4b:s3+s11], $0x40, s0, s11, $0xb8;
	[tilespmem:$0x13800] =	vst v63  }
0x10e: {  	_ =	swait.ge [sflag:s26], $0xC80  }
0x10f: {  	[sflag:s26] =	ssyncset.done $0x0  }
0x110: {  	[sflag:s26] =	ssyncadd.s32 $0xFFFFF380  }
0x111: {  	_ =	swait.ge [sflag:s26], $0xC80  }
0x112: {  	[sflag:s26] =	ssyncset.done $0x0  }
0x113: {  	[sflag:s26] =	ssyncadd.s32 $0xFFFFF380  }
0x114: {  	_ =	swait.ge [sflag:s26], $0xC80  }
0x115: {  	[sflag:s26] =	ssyncset.done $0x0  }
0x116: {  	[sflag:s26] =	ssyncadd.s32 $0xFFFFF380  }
0x117: {  	_ =	swait.ge [sflag:s26], $0xC80  }
0x118: {  	[sflag:s26] =	ssyncset.done $0x0  }
0x119: {  	[sflag:s26] =	ssyncadd.s32 $0xFFFFF380  }
0x11a: {  	_ =	swait.ge [sflag:s26], $0xC80  }
0x11b: {  	[sflag:s26] =	ssyncset.done $0x0  }
0x11c: {  	[sflag:s26] =	ssyncadd.s32 $0xFFFFF380  }
0x11d: {  	_ =	swait.ge [sflag:s26], $0xC80  }
0x11e: {  	[sflag:s26] =	ssyncset.done $0x0  }
0x11f: {  	[sflag:s26] =	ssyncadd.s32 $0xFFFFF380  }
0x120: {  	_ =	swait.ge [sflag:s26], $0xC80  }
0x121: {  	[sflag:s26] =	ssyncset.done $0x0  }
0x122: {  	[sflag:s26] =	ssyncadd.s32 $0xFFFFF380  }
0x123: {  	_ =	swait.ge [sflag:s26], $0xC80  }
0x124: {  	[sflag:s26] =	ssyncset.done $0x0  }
0x125: {  	s30 =	sadd.s32 $0x1, s30;
	[sflag:s26] =	ssyncadd.s32 $0xFFFFF380  }
0x126: {  	[hbm4b:s31+s2] =	stream.linear.scatter [tilespmem:s24], [sflag:$0x4], $0x6400, $0x38;
	[tilespmem:$0x13800] =	vst v63  }
0x127: {  	p0 =	sne.s32 s30, s5;
	_ =	swait.ge [sflag:s28], $0x6400  }
.Ltmp1:
0x128: {  	[sflag:s28] =	ssyncset.done $0x0;
	(pc) =	sbr.rel @p0 .LBB2_1-.Ltmp1, $4  }
0x129: {  	[sflag:s28] =	ssyncadd.s32 $0xFFFF9C00  }
0x12a: {  	_ =	swait.ge [sflag:s29], $0x6400  }
0x12b: {  	[sflag:s29] =	ssyncset.done $0x0  }
0x12c: {  	[sflag:s29] =	ssyncadd.s32 $0xFFFF9C00  }
0x12d: {  	_ =	sfence.sel $0x180000  }
0x12e: {  	[bflag:$0x0] =	sbarrier.arrive $0xFFFF  }
0x12f: {  	_ =	strace $0x90000047  }
0x130: {  	s0 =	stileid.u32;
	[bflag:$0x2] =	sbarrier.arrive $0xFFFF  }
0x131: {  	p0 =	sne.s32 s0, $0x0;
	s0 =	rddreg [dreg:$0x2]  }
0x132: {  	s0 =	sadd.s32 @!p0 $0x100000, s0  }
0x133: {  	[sflag:s0] =	ssyncadd.tile.s32 @!p0 $0x1;
	_ =	shalt  }
.Lfunc_end2:
_tile_overlayer_lowered:
.L_overlay_start_2:
0x134: {  	(tag) =	ssettag $0x2  }
0x135: {  	s0 =	rddreg [dreg:$0x0];
	s2 =	stileid.u32  }
0x136: {  	s1 =	rddreg [dreg:$0x1];
	p0 =	sne.s32 s2, $0x0  }
0x137: {  	s3 =	rddreg [dreg:$0x2];
	[bflag:$0x3] =	sbarrier.arrive $0xFFFF;
	s2 =	simm.s32 @!p0 $0x1C05  }
0x138: {  	[timem:s3], [sflag:s2] =	dma.local @!p0 [hbm:s0], s1  }
0x139: {  	s0 =	simm.s32 @!p0 $0x5  }
0x13a: {  	_ =	swait.ge @!p0 [sflag:s0], s1  }
0x13b: {  	s1 =	ssub.s32 @!p0 $0x0, s1;
	[sflag:s0] =	ssyncset.done @!p0 $0x0  }
0x13c: {  	[sflag:s0] =	ssyncadd.s32 @!p0 s1  }
0x13d: {  	[bflag:$0x3] =	sbarrier.arrive $0xFFFF  }
0x13e: {  	_ =	shalt  }

// kernel: sparse-core-data-format-call.cloned.1.call-start
scs
called_computation_lowered:
.L_overlay_start_0:
0x0: {  	s2 =	sld [smem:$0x3FD9]  }
0x1: {  	s3 =	sld [smem:$0x3FFE];
	_ =	sdelay $0x1  }
0x2: {  	s1 =	srdreg.scid  }
0x3: {  	s0 =	sand.u32 $0x1, s1  }
0x4: {  	s18 =	sshll.u32 s0, $0xA;
	s2 =	sadd.s32 s3, s2  }
0x5: {  	s2 =	sadd.s32 s2, s18  }
0x6: {  	[smem:$0x3FC6] =	sst s2  }
0x7: {  	_ = 	snop  }
0x8: {  	s2 =	sld [smem:$0x3FD0];
	(tm) =	ssettm $0x1  }
0x9: {  	s19 =	sld [smem:$0x3FFB];
	_ =	sdelay $0x3  }
0xa: {  	_ =	strace s19  }
0xb: {  	s3 =	sld [smem:$0x3FFC];
	_ =	sdelay $0x3  }
0xc: {  	_ =	strace s3  }
0xd: {  	s3 =	sld [smem:$0x3FFD];
	_ =	sdelay $0x3  }
0xe: {  	_ =	strace s3  }
0xf: {  	_ =	strace $0x8FFFFFFF  }
0x10: {  	s20 =	sld [smem:$0x3FDB];
	_ =	sdelay $0x1  }
0x11: {  	s4 =	simm.s32 $_scs_section_size  }
0x12: {  	s5 =	simm.s32 $_size__tile_overlayer_lowered;
	s6 =	simm.s32 $_tile_overlayer_lowered  }
0x13: {  	s23 =	simm.s32 $0x1BFF;
	s22 =	sshll.u32 s6, $0x1;
	s3 =	sadd.s32 s4, s20  }
0x14: {  	s7 =	simm.s32 $0x0;
	s21 =	sshll.u32 s5, $0x1;
	s5 =	sadd.s32 s22, s3  }
0x15: {  	[timem:s7], [sflag:s23] =	dma.local [hbm:s5], s21  }
0x16: {  	_ =	swait.ge [sflag:s23], s21  }
0x17: {  	s4 =	ssub.s32 $0x0, s21;
	[sflag:s23] =	ssyncset.done $0x0  }
0x18: {  	[sflag:s23] =	ssyncadd.s32 s4;
	_ =	sdelay $0x1  }
0x19: {  	s24 =	simm.s32 $0x1B8B  }
0x1a: {  	_ =	swait.ge [sflag:s24], $0x1  }
0x1b: {  	[sflag:s24] =	ssyncset.done $0x0  }
0x1c: {  	s26 =	simm.s32 $0x1B8E;
	s25 =	sld [smem:$0x3FFE];
	[sflag:s24] =	ssyncadd.s32 $0xFFFFFFFF  }
0x1d: {  	s27 =	simm.s32 $execute0_lowered;
	[smem:$0x3FD2] =	sst s26  }
0x1e: {  	s5 =	sshll.u32 s27, $0x1;
	_ =	strace $0x80000049;
	[dreg:$0x1] =	wrdreg $0xFFFFFFFF  }
0x1f: {  	s28 =	simm.s32 $_size_execute0_lowered;
	s3 =	sadd.s32 s3, s5;
	[dreg:$0x0] =	wrdreg $0x0  }
0x20: {  	s5 =	sshll.u32 s28, $0x1;
	[dreg:$0x2] =	wrdreg s3  }
0x21: {  	[dreg:$0x3] =	wrdreg s5  }
0x22: {  	[dreg:$0x4] =	wrdreg $0xC0  }
0x23: {  	_ =	task [dreg:s7], $0x5FFFF  }
0x24: {  	[dreg:$0x1] =	wrdreg $0xFFFFFFFF  }
0x25: {  	[dreg:$0x0] =	wrdreg $0x60  }
0x26: {  	[dreg:$0x2] =	wrdreg s25  }
0x27: {  	[dreg:$0x3] =	wrdreg s2  }
0x28: {  	[dreg:$0x4] =	wrdreg $0x9  }
0x29: {  	_ =	task.clear_ibuf [dreg:s7], $0x5FFFF;
	_ =	strace $0x90000049  }
0x2a: {  	s29 =	simm.s32 $0x9;
	_ =	strace $0x8000004B  }
0x2b: {  	_ =	swait.ge [sflag:s29], $0x1  }
0x2c: {  	[sflag:s29] =	ssyncadd.s32 $0xFFFFFFFF  }
0x2d: {  	_ =	strace $0x9000004B  }
0x2e: {  	_ =	sfence  }
0x2f: {  	s30 =	sld [smem:$0x0];
	_ =	sdelay $0x2  }
0x30: {  	s31 =	sshll.u32 s1, $0xD;
	s1 =	sshrl.u32 s1, $0x2  }
0x31: {  	s3 =	sand.u32 $0x4000, s31;
	s1 =	sadd.s32 s1, s30  }
0x32: {  	s0 =	sor.u32 s3, s0;
	s1 =	sshll.u32 s1, $0x11  }
0x33: {  	s0 =	sor.u32 s1, s0  }
0x34: {  	s0 =	sadd.s32 $0x8F2B, s0  }
0x35: {  	[sflag:s0] =	ssyncadd.remote.s32 $0x1  }
0x36: {  	_ =	sfence.sel $0xFFFF  }
0x37: {  	[dreg:$0x0] =	wrdreg $0xFFFFFFFF;
	(pc) =	sbr.abs _section_cstart, $3  }
0x38: {  	[dreg:$0x1] =	wrdreg $0xFFFFFFFF  }
0x39: {  	_ =	task.clear_ibuf [dreg:s7], $0x2FFFF;
	_ =	strace $0x9FFFFFFF  }
0x3a: {  	(tm) =	ssettm $0x7FFFFFFF  }
0x3b: {  	_ =	shalt  }
tec
execute0_lowered:
.L_overlay_start_1:
0x0: {  	(tag) =	ssettag $0x1  }
0x1: {  	s0 =	srdreg.scid  }
0x2: {  	s1 =	sshll.u32 s0, $0x4  }
0x3: {  	s0 =	stileid.u32;
	s1 =	sand.u32 $0x10, s1  }
0x4: {  	s1 =	sor.u32 s0, s1  }
0x5: {  	s6 =	rddreg [dreg:$0x0];
	s4 =	simm.s32 $0x1;
	s2 =	sshll.u32 s1, $0x7  }
0x6: {  	s7 =	simm.s32 $0x2;
	s12 =	simm.s32 $0x0;
	s1 =	ssub.s32 $0x4000, s2  }
0x7: {  	s8 =	simm.s32 $0x20000;
	s13 =	simm.s32 $0x0;
	s3 =	sand.u32 $0xF80, s1  }
0x8: {  	s9 =	simm.s32 $0x0;
	s5 =	sshrl.u32 s1, $0xC;
	p0 =	sne.s32 s3, $0x0  }
.Ltmp0:
0x9: {  	s1 =	rddreg [dreg:$0x2];
	s4 =	simm.s32 @!p0 $0x0;
	(pc) =	sbr.rel .LBB1_1-.Ltmp0, $4  }
0xa: {  	s11 =	simm.s32 $0x0;
	s3 =	rddreg [dreg:$0x1];
	s5 =	sadd.s32 s4, s5  }
0xb: {  	_ =	strace $0x8000004A;
	s4 =	simm.s32 $0x1;
	s5 =	smul.u32 $0x32, s5  }
0xc: {  	s6 =	sadd.s32 $0xA00, s6;
	s10 =	smov.u32 s2;
	[sflag:s4] =	ssyncpa.u1 $0x0  }
0xd: {  	p0 =	por $0x0, $0x0;
	[sflag:s7] =	ssyncpa.u1 $0x0;
	s7 =	sor.u32 $0x1, s5  }
.LBB1_4:
0xe: {  	s16 =	sshll.u32 s13, $0x3;
	s17 =	sand.u32 $0x78, s13  }
0xf: {  	s30 =	sand.u32 $0x1F800, s13;
	s12 =	sshll.u32 s12, $0x11;
	s16 =	sand.u32 $0x3C00, s16  }
0x10: {  	[tilespmem:s15+$0x810 ss:$0x81] =	vst.msk $0xffff, v2;
	s31 =	sand.u32 $0x7, s13;
	s16 =	sor.u32 s17, s16;
	s17 =	sadd.s32 s3, s30  }
0x11: {  	[tilespmem:s15+$0x1020 ss:$0x81] =	vst.msk $0xffff, v0;
	s13 =	sshll.u32 s31, $0x12;
	s12 =	sadd.s32 s12, s17;
	s16 =	sshrl.u32 s16, $0x3  }
0x12: {  	[tilespmem:s15+$0x0 ss:$0x81] =	vst.msk $0xffff, v1;
	s13 =	sor.u32 $0x400, s13;
	s12 =	sadd.s32 s16, s12  }
0x13: {  	[hbm4b:s12+s13] =	stream.strided.scatter [tilespmem:s14], [sflag:$0x2], $0x2000, s8, s13, $0x20;
	[tilespmem:$0x8080] =	vst v63  }
.LBB1_5:
0x14: {  	s14 =	sadd.s32 $0x1, s9  }
0x15: {  	s12 =	sadd.s32 $0x1000, s10;
	s16 =	smov.u32 s10;
	p2 =	sgt.s32 s14, $0x31  }
0x16: {  	s16 =	smov.u32 @p2 s12  }
0x17: {  	s14 =	simm.s32 @p2 $0x0;
	p2 =	sgt.s32 s16, $0x3FFF  }
0x18: {  	s16 =	smov.u32 @p2 s2;
	p2 =	sne.s32 s11, s7  }
.Ltmp1:
0x19: {  	p1 =	slt.u32 s11, $0x2;
	(pc) =	sbr.rel @!p2 .LBB1_6-.Ltmp1, $4  }
0x1a: {  	s15 =	simm.s32 @!p1 $0x2  }
0x1b: {  	s13 =	smov.u32 s10;
	p0 =	por !p0, !p0;
	_ =	swait.ge @!p1 [sflag:s15], $0x2000  }
0x1c: {  	s12 =	smov.u32 s9;
	[sflag:s15] =	ssyncset.done @!p1 $0x0;
	s9 =	smov.u32 s14  }
0x1d: {  	s11 =	sadd.s32 $0x1, s11;
	[sflag:s15] =	ssyncadd.s32 @!p1 $0xFFFFE000;
	s10 =	smov.u32 s16  }
.LBB1_1:
0x1e: {  	p1 =	sge.u32 s11, s5  }
0x1f: {  	s14 =	sand.u32 @!p1 $0x1FFFFFF, s9  }
0x20: {  	s15 =	smulhi.u32 @!p1 $0x4924925, s14;
	_ =	sdelay $0x1  }
0x21: {  	s15 =	smul.u32 @!p1 $0x38, s15  }
0x22: {  	s16 =	sxor.u32 @!p1 $0xFFFFFFFF, s11;
	s17 =	smul.u32 @!p1 $0x380, s10  }
0x23: {  	s31 =	sadd.s32 $0xFFFFFFFF, s11;
	s16 =	sshll.u32 @!p1 s16, $0xD;
	s14 =	ssub.s32 @!p1 s14, s15  }
0x24: {  	s15 =	sand.u32 @!p1 $0x2000, s16;
	s16 =	sadd.s32 @!p1 s6, s17;
	s14 =	sshll.u32 @!p1 s14, $0x4  }
0x25: {  	s17 =	simm.s32 @!p1 $0x1C00;
	s14 =	sadd.s32 @!p1 s14, s16;
	s16 =	simm.s32 @!p1 $0x40  }
0x26: {  	[tilespmem:s15], [sflag:$0x1] =	stream.strided.gather @!p1 [hbm4b:s14+s16], $0x2000, s17, s16, $0x38;
	[tilespmem:$0x8080] =	vst v63  }
0x27: {  	p1 =	sge.u32 s31, s5  }
.Ltmp2:
0x28: {  	_ = 	snop;
	(pc) =	sbr.rel @p1 .LBB1_5-.Ltmp2, $1  }
0x29: {  	_ =	sdelay $0x3  }
0x2a: {  	s14 =	simm.s32 $0x1  }
0x2b: {  	_ =	swait.ge [sflag:s4], $0x2000;
	s14 =	simm.s32 @!p0 $0x0  }
0x2c: {  	[sflag:s4] =	ssyncset.done $0x0;
	s15 =	sshll.u32 s14, $0xD  }
0x2d: {  	[sflag:s4] =	ssyncadd.s32 $0xFFFFE000;
	s18 =	sor.u32 $0x20, s15  }
0x2e: {  	s14 =	smul.u32 $0x8100, s14;
	v3 =	vld [tilespmem:s18+$0x10]  }
0x2f: {  	s30 =	sand.u32 $0x1, s11;
	v2 =	vld [tilespmem:s18+$0xFFFFFFF0]  }
0x30: {  	s15 =	smul.u32 $0x8100, s30;
	s14 =	sshrl.u32 s14, $0x2;
	v0 =	vld [tilespmem:s18+$0x0]  }
0x31: {  	v1 =	vld [tilespmem:s18+$0xFFFFFFE0];
	s16 =	sor.u32 $0x4000, s14  }
0x32: {  	s31 =	sshrl.u32 s15, $0x2;
	s15 =	sadd.s32 $0x0, s16  }
0x33: {  	s17 =	simm.s32 $0x4;
	s18 =	sadd.s32 $0x40, s18;
	s14 =	sor.u32 $0x4000, s31;
	[tilespmem:s15+$0x1830 ss:$0x81] =	vst.msk $0xffff, v3  }
.LBB1_3:
0x34: {  	v3 =	vld [tilespmem:s18+$0x10];
	p1 =	sne.s32 s17, $0x1FC;
	[tilespmem:s15+$0x810 ss:$0x81] =	vst.msk $0xffff, v2;
	s19 =	smov.u32 s17;
	s17 =	sadd.s32 $0x4, s17  }
.Ltmp3:
0x35: {  	v2 =	vld [tilespmem:s18+$0xFFFFFFF0];
	[tilespmem:s15+$0x1020 ss:$0x81] =	vst.msk $0xffff, v0;
	(pc) =	sbr.rel @p1 .LBB1_3-.Ltmp3, $4  }
0x36: {  	v0 =	vld [tilespmem:s18+$0x0];
	[tilespmem:s15+$0x0 ss:$0x81] =	vst.msk $0xffff, v1  }
0x37: {  	s15 =	sshra.s32 s19, $0x2;
	v1 =	vld [tilespmem:s18+$0xFFFFFFE0]  }
0x38: {  	s15 =	sadd.s32 s15, s16  }
0x39: {  	s18 =	sadd.s32 $0x40, s18;
	[tilespmem:s15+$0x1830 ss:$0x81] =	vst.msk $0xffff, v3  }
.Ltmp4:
0x3a: {  	_ = 	snop;
	(pc) =	sbr.rel .LBB1_4-.Ltmp4, $1  }
0x3b: {  	_ =	sdelay $0x3  }
.LBB1_6:
0x3c: {  	_ =	sfence.sel $0x180000  }
0x3d: {  	s2 =	simm.s32 $0x1;
	[bflag:$0x0] =	sbarrier.arrive $0xFFFF  }
0x3e: {  	s31 =	simm.s32 $0x2;
	[sflag:s2] =	ssyncpa.u1 $0x1  }
0x3f: {  	[sflag:s31] =	ssyncpa.u1 $0x1  }
0x40: {  	p0 =	sne.s32 s0, $0x0;
	_ =	strace $0x9000004A  }
0x41: {  	s0 =	sadd.s32 @!p0 $0x100000, s1;
	[bflag:$0x2] =	sbarrier.arrive $0xFFFF  }
0x42: {  	[sflag:s0] =	ssyncadd.tile.s32 @!p0 $0x1;
	_ =	shalt  }
.Lfunc_end1:
_tile_overlayer_lowered:
.L_overlay_start_2:
0x43: {  	(tag) =	ssettag $0x2  }
0x44: {  	s0 =	rddreg [dreg:$0x0];
	s2 =	stileid.u32  }
0x45: {  	s1 =	rddreg [dreg:$0x1];
	p0 =	sne.s32 s2, $0x0  }
0x46: {  	s3 =	rddreg [dreg:$0x2];
	[bflag:$0x3] =	sbarrier.arrive $0xFFFF;
	s2 =	simm.s32 @!p0 $0x1C01  }
0x47: {  	[timem:s3], [sflag:s2] =	dma.local @!p0 [hbm:s0], s1  }
0x48: {  	s0 =	simm.s32 @!p0 $0x1  }
0x49: {  	_ =	swait.ge @!p0 [sflag:s0], s1  }
0x4a: {  	s1 =	ssub.s32 @!p0 $0x0, s1;
	[sflag:s0] =	ssyncset.done @!p0 $0x0  }
0x4b: {  	[sflag:s0] =	ssyncadd.s32 @!p0 s1  }
0x4c: {  	[bflag:$0x3] =	sbarrier.arrive $0xFFFF  }
0x4d: {  	_ =	shalt  }

</sc_bundles>
